<compile_context>
chip_gen: v7x
topology: tpu7x:2x2x1
jax: 0.10.2.dev20260603
libtpu: 0.0.44.dev20260713+nightly
codegen_flags: <defaults>
</compile_context>

<pallas_src>
import jax
import jax.numpy as jnp
from jax import lax
from jax.experimental import pallas as pl
from jax.experimental.pallas import tpu as pltpu
from jax.experimental.pallas import tpu_sc as plsc

B = 16384
D = 64
E = 1024
NC = 2
NS = 16
NW = NC * NS
BPW = B // NW

_mesh = plsc.VectorSubcoreMesh(core_axis_name="c", subcore_axis_name="s")


def _wid():
    return lax.axis_index("s") * NC + lax.axis_index("c")


def _sc_gather3_body(uid_h, pos_h, neg_h, item_h, user_h,
                     ue_o, po_o, no_o,
                     idxv, rows, sem):
    wid = _wid()
    base = wid * BPW
    row0 = wid * (BPW // 128)
    for t, ih in enumerate((uid_h, pos_h, neg_h)):
        pltpu.sync_copy(ih.at[pl.ds(row0, BPW // 128)], idxv.at[t])
    for t, (tbl, out) in enumerate(
            ((user_h, ue_o), (item_h, po_o), (item_h, no_o))):

        def body(g, carry, tbl=tbl, t=t):
            q = lax.shift_right_logical(g, 3)
            k0 = lax.bitwise_and(g, 7) * 16
            v16 = idxv[t, q, pl.ds(k0, 16)]
            for l in range(16):
                r = v16[l]
                pltpu.async_copy(tbl.at[pl.ds(r, 1)],
                                 rows.at[pl.ds(g * 16 + l, 1)], sem)
            return carry

        lax.fori_loop(0, BPW // 16, body, 0)
        pltpu.make_async_copy(tbl.at[pl.ds(0, BPW)], rows, sem).wait()
        pltpu.sync_copy(rows, out.at[pl.ds(base, BPW)])


_sc_gather3 = pl.kernel(
    _sc_gather3_body,
    out_type=[jax.ShapeDtypeStruct((B, D), jnp.float32)] * 3,
    mesh=_mesh,
    scratch_types=[
        pltpu.VMEM((3, BPW // 128, 128), jnp.int32),
        pltpu.VMEM((BPW, D), jnp.float32),
        pltpu.SemaphoreType.DMA,
    ],
)

BS = 512


def _vq_body(x_ref, cb_ref, cbt_ref, c2_ref, q_ref, dsum_ref):
    x = x_ref[...]
    m = jnp.dot(2.0 * x, cb_ref[...], preferred_element_type=jnp.float32)
    x2 = jnp.sum(x * x, axis=1, keepdims=True)
    dist = (x2 - m) + c2_ref[...]
    rowmin = jnp.min(dist, axis=1, keepdims=True)
    eiota = lax.broadcasted_iota(jnp.int32, dist.shape, 1)
    idx = jnp.min(jnp.where(dist == rowmin, eiota, E), axis=1, keepdims=True)
    onehot = (eiota == idx).astype(jnp.float32)
    q_ref[...] = jnp.dot(onehot, cbt_ref[...],
                         precision=lax.Precision.HIGHEST,
                         preferred_element_type=jnp.float32)

    @pl.when(pl.program_id(0) == 0)
    def _():
        dsum_ref[0, 0] = 0.0

    dsum_ref[0, 0] += jnp.sum(rowmin)


_vq = pl.pallas_call(
    _vq_body,
    grid=(B // BS,),
    in_specs=[
        pl.BlockSpec((BS, D), lambda i: (i, 0)),
        pl.BlockSpec((D, E), lambda i: (0, 0)),
        pl.BlockSpec((E, D), lambda i: (0, 0)),
        pl.BlockSpec((1, E), lambda i: (0, 0)),
    ],
    out_specs=[
        pl.BlockSpec((BS, D), lambda i: (i, 0)),
        pl.BlockSpec((1, 1), lambda i: (0, 0), memory_space=pltpu.SMEM),
    ],
    out_shape=[
        jax.ShapeDtypeStruct((B, D), jnp.float32),
        jax.ShapeDtypeStruct((1, 1), jnp.float32),
    ],
)


def kernel(user_id, interacted_items, pos, neg, item_table, user_table, codebook):
    del interacted_items
    uid1 = user_id.astype(jnp.int32).reshape(B // 128, 128)
    pos1 = pos.astype(jnp.int32).reshape(B // 128, 128)
    neg1 = neg.astype(jnp.int32).reshape(B // 128, 128)
    user_embed, pos_item, neg_item = _sc_gather3(
        uid1, pos1, neg1, item_table, user_table)
    c2 = jnp.sum(codebook ** 2, axis=0, keepdims=True)
    quant, dsum = _vq(user_embed, codebook, codebook.T, c2)
    diff = (dsum[0, 0] / (B * D)).astype(jnp.float32)
    return (quant, pos_item, neg_item, diff, user_embed)

# --- scband reference (transcript-rebuilt; emitter-appended) ---
"""Pipeline reference for scband-domain-model-75033078661527 (READ-ONLY COPY).

The authoritative reference and input builder live on the scoring server;
editing this copy changes nothing except your own understanding.
"""

import jax, jax.numpy as jnp
import numpy as np

N_USER = 1000000
N_ITEM = 1000000
D = 64
N_EMBED = 1024
B = 16384
HIST = 50

def setup_inputs(seed: int = 0) -> dict:
    key = jax.random.key(seed)
    ks = jax.random.split(key, 8)
    user_id = jax.random.randint(ks[0], (B,), 0, N_USER, dtype=jnp.int64) if jax.config.jax_enable_x64 else jax.random.randint(ks[0], (B,), 0, N_USER, dtype=jnp.int32)
    interacted_items = jax.random.randint(ks[1], (B, HIST), 0, N_ITEM + 1)
    pos = jax.random.randint(ks[2], (B,), 0, N_ITEM + 1)
    neg = jax.random.randint(ks[3], (B,), 0, N_ITEM + 1)
    # learned parameters (per init_kwargs)
    item_table = jax.random.normal(ks[4], (N_ITEM + 1, D), dtype=jnp.float32) * 0.01
    user_table = jax.random.normal(ks[5], (N_USER, D), dtype=jnp.float32) * 0.01
    # Quantize codebook buffer, stored as [dim, n_embed] like rosinality VQ-VAE
    codebook = jax.random.normal(ks[6], (D, N_EMBED), dtype=jnp.float32)
    return {"user_id": user_id, "interacted_items": interacted_items, "pos": pos,
            "neg": neg, "item_table": item_table, "user_table": user_table,
            "codebook": codebook}

def _quantize(inp, codebook):
    # eval-mode Quantize.forward (no EMA updates)
    dim = codebook.shape[0]
    flatten = inp.reshape(-1, dim)
    dist = (jnp.sum(flatten ** 2, axis=1, keepdims=True)
            - 2.0 * flatten @ codebook
            + jnp.sum(codebook ** 2, axis=0, keepdims=True))
    embed_ind = jnp.argmax(-dist, axis=1)
    quantize = jnp.take(codebook.T, embed_ind, axis=0).reshape(inp.shape)
    diff = jnp.mean((jax.lax.stop_gradient(quantize) - inp) ** 2)
    quantize_st = inp + jax.lax.stop_gradient(quantize - inp)
    embed_ind = embed_ind.reshape(inp.shape[:-1])
    return quantize_st, diff, embed_ind

def reference(user_id, interacted_items, pos, neg, item_table, user_table, codebook):
    # user_embed_method == 'user': pure table lookup (interacted_items unused)
    user_embed = jnp.take(user_table, user_id, axis=0)
    quant_user, diff, id_t = _quantize(user_embed, codebook)
    pos_item = jnp.take(item_table, pos, axis=0)
    neg_item = jnp.take(item_table, neg, axis=0)
    return (quant_user, pos_item, neg_item, diff, user_embed)

if __name__ == "__main__":
    import jax
    _d = setup_inputs()
    print(jax.jit(kernel)(*tuple(_d.values())))

</pallas_src>

<mosaic_0001>
#map = affine_map<(d0, d1) -> (0, 0)>
module attributes {stable_mosaic.version = 14 : i64} {
  func.func @_sc_gather3_body(%arg0: i32, %arg1: i32, %arg2: memref<128x128xi32, #tpu.memory_space<hbm>>, %arg3: memref<128x128xi32, #tpu.memory_space<hbm>>, %arg4: memref<128x128xi32, #tpu.memory_space<hbm>>, %arg5: memref<1000001x64xf32, #tpu.memory_space<hbm>>, %arg6: memref<1000000x64xf32, #tpu.memory_space<hbm>>, %arg7: memref<16384x64xf32, #tpu.memory_space<hbm>>, %arg8: memref<16384x64xf32, #tpu.memory_space<hbm>>, %arg9: memref<16384x64xf32, #tpu.memory_space<hbm>>, %arg10: memref<3x4x128xi32, #tpu.memory_space<vmem>>, %arg11: memref<512x64xf32, #tpu.memory_space<vmem>>, %arg12: memref<!tpu.dma_semaphore, #tpu.memory_space<semaphore_mem>>) attributes {dimension_semantics = [#tpu.dimension_semantics<core_parallel>, #tpu.dimension_semantics<subcore_parallel>], iteration_bounds = array<i64: 2, 16>, scalar_prefetch = 0 : i64, scratch_operands = 3 : i64, tpu.core_type = #tpu.core_type<sc_vector_subcore>, window_params = [{transform_indices = #map}, {transform_indices = #map}, {transform_indices = #map}, {transform_indices = #map}, {transform_indices = #map}, {transform_indices = #map}, {transform_indices = #map}, {transform_indices = #map}]} {
    %mul3A = arith.constant 2 : i32
    %mul3A_0 = arith.muli %arg1, %mul3A : i32
    %add3A = arith.addi %mul3A_0, %arg0 : i32
    %mul3A_1 = arith.constant 512 : i32
    %mul3A_2 = arith.muli %add3A, %mul3A_1 : i32
    %mul3A_3 = arith.constant 4 : i32
    %mul3A_4 = arith.muli %add3A, %mul3A_3 : i32
    %run_scoped3A = arith.constant 0 : i32
    "tpu.region"() ({
      %run_scoped3A_41 = tpu.sem_alloc : memref<!tpu.dma_semaphore, #tpu.memory_space<semaphore_mem>>
      %dma_start3A = arith.constant 0 : i32
      %dma_start3A_42 = arith.constant 0 : i32
      %dma_start3A_43 = tpu.memref_slice %arg10[%run_scoped3A, %dma_start3A, %dma_start3A_42] : memref<3x4x128xi32, #tpu.memory_space<vmem>> -> memref<1x4x128xi32, #tpu.memory_space<vmem>>
      %dma_start3A_44 = tpu.memref_squeeze %dma_start3A_43 : memref<1x4x128xi32, #tpu.memory_space<vmem>> -> memref<4x128xi32, #tpu.memory_space<vmem>>
      %dma_start3A_45 = arith.constant 0 : i32
      %dma_start3A_46 = tpu.memref_slice %arg2[%mul3A_4, %dma_start3A_45] : memref<128x128xi32, #tpu.memory_space<hbm>> -> memref<4x128xi32, #tpu.memory_space<hbm>>
      %dma_start3A_47 = arith.constant 0 : i32
      %dma_start3A_48 = arith.constant 0 : i32
      %dma_start3A_49 = tpu.memref_slice %arg10[%run_scoped3A, %dma_start3A_47, %dma_start3A_48] : memref<3x4x128xi32, #tpu.memory_space<vmem>> -> memref<1x4x128xi32, #tpu.memory_space<vmem>>
      %dma_start3A_50 = tpu.memref_squeeze %dma_start3A_49 : memref<1x4x128xi32, #tpu.memory_space<vmem>> -> memref<4x128xi32, #tpu.memory_space<vmem>>
      %dma_start3A_51 = arith.constant 0 : i32
      %dma_start3A_52 = tpu.memref_slice %arg2[%mul3A_4, %dma_start3A_51] : memref<128x128xi32, #tpu.memory_space<hbm>> -> memref<4x128xi32, #tpu.memory_space<hbm>>
      tpu.enqueue_dma source(%dma_start3A_52 : memref<4x128xi32, #tpu.memory_space<hbm>>) target(%dma_start3A_50 : memref<4x128xi32, #tpu.memory_space<vmem>>) target_semaphore(%run_scoped3A_41 : memref<!tpu.dma_semaphore, #tpu.memory_space<semaphore_mem>>)
      %dma_wait3A_53 = arith.constant 0 : i32
      %dma_wait3A_54 = arith.constant 0 : i32
      %dma_wait3A_55 = tpu.memref_slice %arg10[%run_scoped3A, %dma_wait3A_53, %dma_wait3A_54] : memref<3x4x128xi32, #tpu.memory_space<vmem>> -> memref<1x4x128xi32, #tpu.memory_space<vmem>>
      %dma_wait3A_56 = tpu.memref_squeeze %dma_wait3A_55 : memref<1x4x128xi32, #tpu.memory_space<vmem>> -> memref<4x128xi32, #tpu.memory_space<vmem>>
      %dma_wait3A_57 = arith.constant 0 : i32
      %dma_wait3A_58 = tpu.memref_slice %arg2[%mul3A_4, %dma_wait3A_57] : memref<128x128xi32, #tpu.memory_space<hbm>> -> memref<4x128xi32, #tpu.memory_space<hbm>>
      %dma_wait3A_59 = arith.constant 0 : i32
      %dma_wait3A_60 = arith.constant 0 : i32
      %dma_wait3A_61 = tpu.memref_slice %arg10[%run_scoped3A, %dma_wait3A_59, %dma_wait3A_60] : memref<3x4x128xi32, #tpu.memory_space<vmem>> -> memref<1x4x128xi32, #tpu.memory_space<vmem>>
      %dma_wait3A_62 = tpu.memref_squeeze %dma_wait3A_61 : memref<1x4x128xi32, #tpu.memory_space<vmem>> -> memref<4x128xi32, #tpu.memory_space<vmem>>
      %dma_wait3A_63 = arith.constant 0 : i32
      %dma_wait3A_64 = tpu.memref_slice %arg2[%mul3A_4, %dma_wait3A_63] : memref<128x128xi32, #tpu.memory_space<hbm>> -> memref<4x128xi32, #tpu.memory_space<hbm>>
      tpu.wait_dma2 semaphore(%run_scoped3A_41 : memref<!tpu.dma_semaphore, #tpu.memory_space<semaphore_mem>>) src(%dma_wait3A_64 : memref<4x128xi32, #tpu.memory_space<hbm>>) dst(%dma_wait3A_62 : memref<4x128xi32, #tpu.memory_space<vmem>>)
      tpu.yield
    }) : () -> ()
    %run_scoped3A_5 = arith.constant 1 : i32
    "tpu.region"() ({
      %run_scoped3A_41 = tpu.sem_alloc : memref<!tpu.dma_semaphore, #tpu.memory_space<semaphore_mem>>
      %dma_start3A = arith.constant 0 : i32
      %dma_start3A_42 = arith.constant 0 : i32
      %dma_start3A_43 = tpu.memref_slice %arg10[%run_scoped3A_5, %dma_start3A, %dma_start3A_42] : memref<3x4x128xi32, #tpu.memory_space<vmem>> -> memref<1x4x128xi32, #tpu.memory_space<vmem>>
      %dma_start3A_44 = tpu.memref_squeeze %dma_start3A_43 : memref<1x4x128xi32, #tpu.memory_space<vmem>> -> memref<4x128xi32, #tpu.memory_space<vmem>>
      %dma_start3A_45 = arith.constant 0 : i32
      %dma_start3A_46 = tpu.memref_slice %arg3[%mul3A_4, %dma_start3A_45] : memref<128x128xi32, #tpu.memory_space<hbm>> -> memref<4x128xi32, #tpu.memory_space<hbm>>
      %dma_start3A_47 = arith.constant 0 : i32
      %dma_start3A_48 = arith.constant 0 : i32
      %dma_start3A_49 = tpu.memref_slice %arg10[%run_scoped3A_5, %dma_start3A_47, %dma_start3A_48] : memref<3x4x128xi32, #tpu.memory_space<vmem>> -> memref<1x4x128xi32, #tpu.memory_space<vmem>>
      %dma_start3A_50 = tpu.memref_squeeze %dma_start3A_49 : memref<1x4x128xi32, #tpu.memory_space<vmem>> -> memref<4x128xi32, #tpu.memory_space<vmem>>
      %dma_start3A_51 = arith.constant 0 : i32
      %dma_start3A_52 = tpu.memref_slice %arg3[%mul3A_4, %dma_start3A_51] : memref<128x128xi32, #tpu.memory_space<hbm>> -> memref<4x128xi32, #tpu.memory_space<hbm>>
      tpu.enqueue_dma source(%dma_start3A_52 : memref<4x128xi32, #tpu.memory_space<hbm>>) target(%dma_start3A_50 : memref<4x128xi32, #tpu.memory_space<vmem>>) target_semaphore(%run_scoped3A_41 : memref<!tpu.dma_semaphore, #tpu.memory_space<semaphore_mem>>)
      %dma_wait3A_53 = arith.constant 0 : i32
      %dma_wait3A_54 = arith.constant 0 : i32
      %dma_wait3A_55 = tpu.memref_slice %arg10[%run_scoped3A_5, %dma_wait3A_53, %dma_wait3A_54] : memref<3x4x128xi32, #tpu.memory_space<vmem>> -> memref<1x4x128xi32, #tpu.memory_space<vmem>>
      %dma_wait3A_56 = tpu.memref_squeeze %dma_wait3A_55 : memref<1x4x128xi32, #tpu.memory_space<vmem>> -> memref<4x128xi32, #tpu.memory_space<vmem>>
      %dma_wait3A_57 = arith.constant 0 : i32
      %dma_wait3A_58 = tpu.memref_slice %arg3[%mul3A_4, %dma_wait3A_57] : memref<128x128xi32, #tpu.memory_space<hbm>> -> memref<4x128xi32, #tpu.memory_space<hbm>>
      %dma_wait3A_59 = arith.constant 0 : i32
      %dma_wait3A_60 = arith.constant 0 : i32
      %dma_wait3A_61 = tpu.memref_slice %arg10[%run_scoped3A_5, %dma_wait3A_59, %dma_wait3A_60] : memref<3x4x128xi32, #tpu.memory_space<vmem>> -> memref<1x4x128xi32, #tpu.memory_space<vmem>>
      %dma_wait3A_62 = tpu.memref_squeeze %dma_wait3A_61 : memref<1x4x128xi32, #tpu.memory_space<vmem>> -> memref<4x128xi32, #tpu.memory_space<vmem>>
      %dma_wait3A_63 = arith.constant 0 : i32
      %dma_wait3A_64 = tpu.memref_slice %arg3[%mul3A_4, %dma_wait3A_63] : memref<128x128xi32, #tpu.memory_space<hbm>> -> memref<4x128xi32, #tpu.memory_space<hbm>>
      tpu.wait_dma2 semaphore(%run_scoped3A_41 : memref<!tpu.dma_semaphore, #tpu.memory_space<semaphore_mem>>) src(%dma_wait3A_64 : memref<4x128xi32, #tpu.memory_space<hbm>>) dst(%dma_wait3A_62 : memref<4x128xi32, #tpu.memory_space<vmem>>)
      tpu.yield
    }) : () -> ()
    %run_scoped3A_6 = arith.constant 2 : i32
    "tpu.region"() ({
      %run_scoped3A_41 = tpu.sem_alloc : memref<!tpu.dma_semaphore, #tpu.memory_space<semaphore_mem>>
      %dma_start3A = arith.constant 0 : i32
      %dma_start3A_42 = arith.constant 0 : i32
      %dma_start3A_43 = tpu.memref_slice %arg10[%run_scoped3A_6, %dma_start3A, %dma_start3A_42] : memref<3x4x128xi32, #tpu.memory_space<vmem>> -> memref<1x4x128xi32, #tpu.memory_space<vmem>>
      %dma_start3A_44 = tpu.memref_squeeze %dma_start3A_43 : memref<1x4x128xi32, #tpu.memory_space<vmem>> -> memref<4x128xi32, #tpu.memory_space<vmem>>
      %dma_start3A_45 = arith.constant 0 : i32
      %dma_start3A_46 = tpu.memref_slice %arg4[%mul3A_4, %dma_start3A_45] : memref<128x128xi32, #tpu.memory_space<hbm>> -> memref<4x128xi32, #tpu.memory_space<hbm>>
      %dma_start3A_47 = arith.constant 0 : i32
      %dma_start3A_48 = arith.constant 0 : i32
      %dma_start3A_49 = tpu.memref_slice %arg10[%run_scoped3A_6, %dma_start3A_47, %dma_start3A_48] : memref<3x4x128xi32, #tpu.memory_space<vmem>> -> memref<1x4x128xi32, #tpu.memory_space<vmem>>
      %dma_start3A_50 = tpu.memref_squeeze %dma_start3A_49 : memref<1x4x128xi32, #tpu.memory_space<vmem>> -> memref<4x128xi32, #tpu.memory_space<vmem>>
      %dma_start3A_51 = arith.constant 0 : i32
      %dma_start3A_52 = tpu.memref_slice %arg4[%mul3A_4, %dma_start3A_51] : memref<128x128xi32, #tpu.memory_space<hbm>> -> memref<4x128xi32, #tpu.memory_space<hbm>>
      tpu.enqueue_dma source(%dma_start3A_52 : memref<4x128xi32, #tpu.memory_space<hbm>>) target(%dma_start3A_50 : memref<4x128xi32, #tpu.memory_space<vmem>>) target_semaphore(%run_scoped3A_41 : memref<!tpu.dma_semaphore, #tpu.memory_space<semaphore_mem>>)
      %dma_wait3A_53 = arith.constant 0 : i32
      %dma_wait3A_54 = arith.constant 0 : i32
      %dma_wait3A_55 = tpu.memref_slice %arg10[%run_scoped3A_6, %dma_wait3A_53, %dma_wait3A_54] : memref<3x4x128xi32, #tpu.memory_space<vmem>> -> memref<1x4x128xi32, #tpu.memory_space<vmem>>
      %dma_wait3A_56 = tpu.memref_squeeze %dma_wait3A_55 : memref<1x4x128xi32, #tpu.memory_space<vmem>> -> memref<4x128xi32, #tpu.memory_space<vmem>>
      %dma_wait3A_57 = arith.constant 0 : i32
      %dma_wait3A_58 = tpu.memref_slice %arg4[%mul3A_4, %dma_wait3A_57] : memref<128x128xi32, #tpu.memory_space<hbm>> -> memref<4x128xi32, #tpu.memory_space<hbm>>
      %dma_wait3A_59 = arith.constant 0 : i32
      %dma_wait3A_60 = arith.constant 0 : i32
      %dma_wait3A_61 = tpu.memref_slice %arg10[%run_scoped3A_6, %dma_wait3A_59, %dma_wait3A_60] : memref<3x4x128xi32, #tpu.memory_space<vmem>> -> memref<1x4x128xi32, #tpu.memory_space<vmem>>
      %dma_wait3A_62 = tpu.memref_squeeze %dma_wait3A_61 : memref<1x4x128xi32, #tpu.memory_space<vmem>> -> memref<4x128xi32, #tpu.memory_space<vmem>>
      %dma_wait3A_63 = arith.constant 0 : i32
      %dma_wait3A_64 = tpu.memref_slice %arg4[%mul3A_4, %dma_wait3A_63] : memref<128x128xi32, #tpu.memory_space<hbm>> -> memref<4x128xi32, #tpu.memory_space<hbm>>
      tpu.wait_dma2 semaphore(%run_scoped3A_41 : memref<!tpu.dma_semaphore, #tpu.memory_space<semaphore_mem>>) src(%dma_wait3A_64 : memref<4x128xi32, #tpu.memory_space<hbm>>) dst(%dma_wait3A_62 : memref<4x128xi32, #tpu.memory_space<vmem>>)
      tpu.yield
    }) : () -> ()
    %scan3A = arith.constant 0 : i32
    %scan3A_7 = arith.constant 0 : i32
    %scan3A_8 = arith.constant 32 : i32
    %scan3A_9 = arith.addi %scan3A_7, %scan3A_8 : i32
    %scan3A_10 = arith.constant 1 : i32
    scf.for %scan3A_41 = %scan3A_7 to %scan3A_9 step %scan3A_10  : i32 {
      %shift_right_logical3A = arith.constant 3 : i32
      %shift_right_logical3A_42 = arith.shrui %scan3A_41, %shift_right_logical3A : i32
      %and3A = arith.constant 7 : i32
      %and3A_43 = arith.andi %scan3A_41, %and3A : i32
      %mul3A_44 = arith.constant 16 : i32
      %mul3A_45 = arith.muli %and3A_43, %mul3A_44 : i32
      %get3A = arith.constant 0 : i32
      %get3A_46 = arith.index_cast %get3A : i32 to index
      %get3A_47 = arith.index_cast %shift_right_logical3A_42 : i32 to index
      %get3A_48 = arith.index_cast %mul3A_45 : i32 to index
      %get3A_49 = tpu.vector_load %arg10[%get3A_46, %get3A_47, %get3A_48] {strides = array<i32>} : memref<3x4x128xi32, #tpu.memory_space<vmem>>, vector<1x1x16xi32>,
      %get3A_50 = vector.shape_cast %get3A_49 : vector<1x1x16xi32> to vector<16xi32>
      %slice3A = vector.extract_strided_slice %get3A_50 {offsets = [0], sizes = [1], strides = [1]} : vector<16xi32> to vector<1xi32>
      %squeeze3A = vector.extract %slice3A[0] : i32 from vector<1xi32>
      %mul3A_51 = arith.constant 16 : i32
      %mul3A_52 = arith.muli %scan3A_41, %mul3A_51 : i32
      %add3A_53 = arith.constant 0 : i32
      %add3A_54 = arith.addi %mul3A_52, %add3A_53 : i32
      %dma_start3A = arith.constant 0 : i32
      %dma_start3A_55 = tpu.memref_slice %arg11[%add3A_54, %dma_start3A] : memref<512x64xf32, #tpu.memory_space<vmem>> -> memref<1x64xf32, #tpu.memory_space<vmem>>
      %dma_start3A_56 = arith.constant 0 : i32
      %dma_start3A_57 = tpu.memref_slice %arg6[%squeeze3A, %dma_start3A_56] : memref<1000000x64xf32, #tpu.memory_space<hbm>> -> memref<1x64xf32, #tpu.memory_space<hbm>>
      %dma_start3A_58 = arith.constant 0 : i32
      %dma_start3A_59 = tpu.memref_slice %arg11[%add3A_54, %dma_start3A_58] : memref<512x64xf32, #tpu.memory_space<vmem>> -> memref<1x64xf32, #tpu.memory_space<vmem>>
      %dma_start3A_60 = arith.constant 0 : i32
      %dma_start3A_61 = tpu.memref_slice %arg6[%squeeze3A, %dma_start3A_60] : memref<1000000x64xf32, #tpu.memory_space<hbm>> -> memref<1x64xf32, #tpu.memory_space<hbm>>
      tpu.enqueue_dma source(%dma_start3A_61 : memref<1x64xf32, #tpu.memory_space<hbm>>) target(%dma_start3A_59 : memref<1x64xf32, #tpu.memory_space<vmem>>) target_semaphore(%arg12 : memref<!tpu.dma_semaphore, #tpu.memory_space<semaphore_mem>>)
      %slice3A_62 = vector.extract_strided_slice %get3A_50 {offsets = [1], sizes = [1], strides = [1]} : vector<16xi32> to vector<1xi32>
      %squeeze3A_63 = vector.extract %slice3A_62[0] : i32 from vector<1xi32>
      %mul3A_64 = arith.constant 16 : i32
      %mul3A_65 = arith.muli %scan3A_41, %mul3A_64 : i32
      %add3A_66 = arith.constant 1 : i32
      %add3A_67 = arith.addi %mul3A_65, %add3A_66 : i32
      %dma_start3A_68 = arith.constant 0 : i32
      %dma_start3A_69 = tpu.memref_slice %arg11[%add3A_67, %dma_start3A_68] : memref<512x64xf32, #tpu.memory_space<vmem>> -> memref<1x64xf32, #tpu.memory_space<vmem>>
      %dma_start3A_70 = arith.constant 0 : i32
      %dma_start3A_71 = tpu.memref_slice %arg6[%squeeze3A_63, %dma_start3A_70] : memref<1000000x64xf32, #tpu.memory_space<hbm>> -> memref<1x64xf32, #tpu.memory_space<hbm>>
      %dma_start3A_72 = arith.constant 0 : i32
      %dma_start3A_73 = tpu.memref_slice %arg11[%add3A_67, %dma_start3A_72] : memref<512x64xf32, #tpu.memory_space<vmem>> -> memref<1x64xf32, #tpu.memory_space<vmem>>
      %dma_start3A_74 = arith.constant 0 : i32
      %dma_start3A_75 = tpu.memref_slice %arg6[%squeeze3A_63, %dma_start3A_74] : memref<1000000x64xf32, #tpu.memory_space<hbm>> -> memref<1x64xf32, #tpu.memory_space<hbm>>
      tpu.enqueue_dma source(%dma_start3A_75 : memref<1x64xf32, #tpu.memory_space<hbm>>) target(%dma_start3A_73 : memref<1x64xf32, #tpu.memory_space<vmem>>) target_semaphore(%arg12 : memref<!tpu.dma_semaphore, #tpu.memory_space<semaphore_mem>>)
      %slice3A_76 = vector.extract_strided_slice %get3A_50 {offsets = [2], sizes = [1], strides = [1]} : vector<16xi32> to vector<1xi32>
      %squeeze3A_77 = vector.extract %slice3A_76[0] : i32 from vector<1xi32>
      %mul3A_78 = arith.constant 16 : i32
      %mul3A_79 = arith.muli %scan3A_41, %mul3A_78 : i32
      %add3A_80 = arith.constant 2 : i32
      %add3A_81 = arith.addi %mul3A_79, %add3A_80 : i32
      %dma_start3A_82 = arith.constant 0 : i32
      %dma_start3A_83 = tpu.memref_slice %arg11[%add3A_81, %dma_start3A_82] : memref<512x64xf32, #tpu.memory_space<vmem>> -> memref<1x64xf32, #tpu.memory_space<vmem>>
      %dma_start3A_84 = arith.constant 0 : i32
      %dma_start3A_85 = tpu.memref_slice %arg6[%squeeze3A_77, %dma_start3A_84] : memref<1000000x64xf32, #tpu.memory_space<hbm>> -> memref<1x64xf32, #tpu.memory_space<hbm>>
      %dma_start3A_86 = arith.constant 0 : i32
      %dma_start3A_87 = tpu.memref_slice %arg11[%add3A_81, %dma_start3A_86] : memref<512x64xf32, #tpu.memory_space<vmem>> -> memref<1x64xf32, #tpu.memory_space<vmem>>
      %dma_start3A_88 = arith.constant 0 : i32
      %dma_start3A_89 = tpu.memref_slice %arg6[%squeeze3A_77, %dma_start3A_88] : memref<1000000x64xf32, #tpu.memory_space<hbm>> -> memref<1x64xf32, #tpu.memory_space<hbm>>
      tpu.enqueue_dma source(%dma_start3A_89 : memref<1x64xf32, #tpu.memory_space<hbm>>) target(%dma_start3A_87 : memref<1x64xf32, #tpu.memory_space<vmem>>) target_semaphore(%arg12 : memref<!tpu.dma_semaphore, #tpu.memory_space<semaphore_mem>>)
      %slice3A_90 = vector.extract_strided_slice %get3A_50 {offsets = [3], sizes = [1], strides = [1]} : vector<16xi32> to vector<1xi32>
      %squeeze3A_91 = vector.extract %slice3A_90[0] : i32 from vector<1xi32>
      %mul3A_92 = arith.constant 16 : i32
      %mul3A_93 = arith.muli %scan3A_41, %mul3A_92 : i32
      %add3A_94 = arith.constant 3 : i32
      %add3A_95 = arith.addi %mul3A_93, %add3A_94 : i32
      %dma_start3A_96 = arith.constant 0 : i32
      %dma_start3A_97 = tpu.memref_slice %arg11[%add3A_95, %dma_start3A_96] : memref<512x64xf32, #tpu.memory_space<vmem>> -> memref<1x64xf32, #tpu.memory_space<vmem>>
      %dma_start3A_98 = arith.constant 0 : i32
      %dma_start3A_99 = tpu.memref_slice %arg6[%squeeze3A_91, %dma_start3A_98] : memref<1000000x64xf32, #tpu.memory_space<hbm>> -> memref<1x64xf32, #tpu.memory_space<hbm>>
      %dma_start3A_100 = arith.constant 0 : i32
      %dma_start3A_101 = tpu.memref_slice %arg11[%add3A_95, %dma_start3A_100] : memref<512x64xf32, #tpu.memory_space<vmem>> -> memref<1x64xf32, #tpu.memory_space<vmem>>
      %dma_start3A_102 = arith.constant 0 : i32
      %dma_start3A_103 = tpu.memref_slice %arg6[%squeeze3A_91, %dma_start3A_102] : memref<1000000x64xf32, #tpu.memory_space<hbm>> -> memref<1x64xf32, #tpu.memory_space<hbm>>
      tpu.enqueue_dma source(%dma_start3A_103 : memref<1x64xf32, #tpu.memory_space<hbm>>) target(%dma_start3A_101 : memref<1x64xf32, #tpu.memory_space<vmem>>) target_semaphore(%arg12 : memref<!tpu.dma_semaphore, #tpu.memory_space<semaphore_mem>>)
      %slice3A_104 = vector.extract_strided_slice %get3A_50 {offsets = [4], sizes = [1], strides = [1]} : vector<16xi32> to vector<1xi32>
      %squeeze3A_105 = vector.extract %slice3A_104[0] : i32 from vector<1xi32>
      %mul3A_106 = arith.constant 16 : i32
      %mul3A_107 = arith.muli %scan3A_41, %mul3A_106 : i32
      %add3A_108 = arith.constant 4 : i32
      %add3A_109 = arith.addi %mul3A_107, %add3A_108 : i32
      %dma_start3A_110 = arith.constant 0 : i32
      %dma_start3A_111 = tpu.memref_slice %arg11[%add3A_109, %dma_start3A_110] : memref<512x64xf32, #tpu.memory_space<vmem>> -> memref<1x64xf32, #tpu.memory_space<vmem>>
      %dma_start3A_112 = arith.constant 0 : i32
      %dma_start3A_113 = tpu.memref_slice %arg6[%squeeze3A_105, %dma_start3A_112] : memref<1000000x64xf32, #tpu.memory_space<hbm>> -> memref<1x64xf32, #tpu.memory_space<hbm>>
      %dma_start3A_114 = arith.constant 0 : i32
      %dma_start3A_115 = tpu.memref_slice %arg11[%add3A_109, %dma_start3A_114] : memref<512x64xf32, #tpu.memory_space<vmem>> -> memref<1x64xf32, #tpu.memory_space<vmem>>
      %dma_start3A_116 = arith.constant 0 : i32
      %dma_start3A_117 = tpu.memref_slice %arg6[%squeeze3A_105, %dma_start3A_116] : memref<1000000x64xf32, #tpu.memory_space<hbm>> -> memref<1x64xf32, #tpu.memory_space<hbm>>
      tpu.enqueue_dma source(%dma_start3A_117 : memref<1x64xf32, #tpu.memory_space<hbm>>) target(%dma_start3A_115 : memref<1x64xf32, #tpu.memory_space<vmem>>) target_semaphore(%arg12 : memref<!tpu.dma_semaphore, #tpu.memory_space<semaphore_mem>>)
      %slice3A_118 = vector.extract_strided_slice %get3A_50 {offsets = [5], sizes = [1], strides = [1]} : vector<16xi32> to vector<1xi32>
      %squeeze3A_119 = vector.extract %slice3A_118[0] : i32 from vector<1xi32>
      %mul3A_120 = arith.constant 16 : i32
      %mul3A_121 = arith.muli %scan3A_41, %mul3A_120 : i32
      %add3A_122 = arith.constant 5 : i32
      %add3A_123 = arith.addi %mul3A_121, %add3A_122 : i32
      %dma_start3A_124 = arith.constant 0 : i32
      %dma_start3A_125 = tpu.memref_slice %arg11[%add3A_123, %dma_start3A_124] : memref<512x64xf32, #tpu.memory_space<vmem>> -> memref<1x64xf32, #tpu.memory_space<vmem>>
      %dma_start3A_126 = arith.constant 0 : i32
      %dma_start3A_127 = tpu.memref_slice %arg6[%squeeze3A_119, %dma_start3A_126] : memref<1000000x64xf32, #tpu.memory_space<hbm>> -> memref<1x64xf32, #tpu.memory_space<hbm>>
      %dma_start3A_128 = arith.constant 0 : i32
      %dma_start3A_129 = tpu.memref_slice %arg11[%add3A_123, %dma_start3A_128] : memref<512x64xf32, #tpu.memory_space<vmem>> -> memref<1x64xf32, #tpu.memory_space<vmem>>
      %dma_start3A_130 = arith.constant 0 : i32
      %dma_start3A_131 = tpu.memref_slice %arg6[%squeeze3A_119, %dma_start3A_130] : memref<1000000x64xf32, #tpu.memory_space<hbm>> -> memref<1x64xf32, #tpu.memory_space<hbm>>
      tpu.enqueue_dma source(%dma_start3A_131 : memref<1x64xf32, #tpu.memory_space<hbm>>) target(%dma_start3A_129 : memref<1x64xf32, #tpu.memory_space<vmem>>) target_semaphore(%arg12 : memref<!tpu.dma_semaphore, #tpu.memory_space<semaphore_mem>>)
      %slice3A_132 = vector.extract_strided_slice %get3A_50 {offsets = [6], sizes = [1], strides = [1]} : vector<16xi32> to vector<1xi32>
      %squeeze3A_133 = vector.extract %slice3A_132[0] : i32 from vector<1xi32>
      %mul3A_134 = arith.constant 16 : i32
      %mul3A_135 = arith.muli %scan3A_41, %mul3A_134 : i32
      %add3A_136 = arith.constant 6 : i32
      %add3A_137 = arith.addi %mul3A_135, %add3A_136 : i32
      %dma_start3A_138 = arith.constant 0 : i32
      %dma_start3A_139 = tpu.memref_slice %arg11[%add3A_137, %dma_start3A_138] : memref<512x64xf32, #tpu.memory_space<vmem>> -> memref<1x64xf32, #tpu.memory_space<vmem>>
      %dma_start3A_140 = arith.constant 0 : i32
      %dma_start3A_141 = tpu.memref_slice %arg6[%squeeze3A_133, %dma_start3A_140] : memref<1000000x64xf32, #tpu.memory_space<hbm>> -> memref<1x64xf32, #tpu.memory_space<hbm>>
      %dma_start3A_142 = arith.constant 0 : i32
      %dma_start3A_143 = tpu.memref_slice %arg11[%add3A_137, %dma_start3A_142] : memref<512x64xf32, #tpu.memory_space<vmem>> -> memref<1x64xf32, #tpu.memory_space<vmem>>
      %dma_start3A_144 = arith.constant 0 : i32
      %dma_start3A_145 = tpu.memref_slice %arg6[%squeeze3A_133, %dma_start3A_144] : memref<1000000x64xf32, #tpu.memory_space<hbm>> -> memref<1x64xf32, #tpu.memory_space<hbm>>
      tpu.enqueue_dma source(%dma_start3A_145 : memref<1x64xf32, #tpu.memory_space<hbm>>) target(%dma_start3A_143 : memref<1x64xf32, #tpu.memory_space<vmem>>) target_semaphore(%arg12 : memref<!tpu.dma_semaphore, #tpu.memory_space<semaphore_mem>>)
      %slice3A_146 = vector.extract_strided_slice %get3A_50 {offsets = [7], sizes = [1], strides = [1]} : vector<16xi32> to vector<1xi32>
      %squeeze3A_147 = vector.extract %slice3A_146[0] : i32 from vector<1xi32>
      %mul3A_148 = arith.constant 16 : i32
      %mul3A_149 = arith.muli %scan3A_41, %mul3A_148 : i32
      %add3A_150 = arith.constant 7 : i32
      %add3A_151 = arith.addi %mul3A_149, %add3A_150 : i32
      %dma_start3A_152 = arith.constant 0 : i32
      %dma_start3A_153 = tpu.memref_slice %arg11[%add3A_151, %dma_start3A_152] : memref<512x64xf32, #tpu.memory_space<vmem>> -> memref<1x64xf32, #tpu.memory_space<vmem>>
      %dma_start3A_154 = arith.constant 0 : i32
      %dma_start3A_155 = tpu.memref_slice %arg6[%squeeze3A_147, %dma_start3A_154] : memref<1000000x64xf32, #tpu.memory_space<hbm>> -> memref<1x64xf32, #tpu.memory_space<hbm>>
      %dma_start3A_156 = arith.constant 0 : i32
      %dma_start3A_157 = tpu.memref_slice %arg11[%add3A_151, %dma_start3A_156] : memref<512x64xf32, #tpu.memory_space<vmem>> -> memref<1x64xf32, #tpu.memory_space<vmem>>
      %dma_start3A_158 = arith.constant 0 : i32
      %dma_start3A_159 = tpu.memref_slice %arg6[%squeeze3A_147, %dma_start3A_158] : memref<1000000x64xf32, #tpu.memory_space<hbm>> -> memref<1x64xf32, #tpu.memory_space<hbm>>
      tpu.enqueue_dma source(%dma_start3A_159 : memref<1x64xf32, #tpu.memory_space<hbm>>) target(%dma_start3A_157 : memref<1x64xf32, #tpu.memory_space<vmem>>) target_semaphore(%arg12 : memref<!tpu.dma_semaphore, #tpu.memory_space<semaphore_mem>>)
      %slice3A_160 = vector.extract_strided_slice %get3A_50 {offsets = [8], sizes = [1], strides = [1]} : vector<16xi32> to vector<1xi32>
      %squeeze3A_161 = vector.extract %slice3A_160[0] : i32 from vector<1xi32>
      %mul3A_162 = arith.constant 16 : i32
      %mul3A_163 = arith.muli %scan3A_41, %mul3A_162 : i32
      %add3A_164 = arith.constant 8 : i32
      %add3A_165 = arith.addi %mul3A_163, %add3A_164 : i32
      %dma_start3A_166 = arith.constant 0 : i32
      %dma_start3A_167 = tpu.memref_slice %arg11[%add3A_165, %dma_start3A_166] : memref<512x64xf32, #tpu.memory_space<vmem>> -> memref<1x64xf32, #tpu.memory_space<vmem>>
      %dma_start3A_168 = arith.constant 0 : i32
      %dma_start3A_169 = tpu.memref_slice %arg6[%squeeze3A_161, %dma_start3A_168] : memref<1000000x64xf32, #tpu.memory_space<hbm>> -> memref<1x64xf32, #tpu.memory_space<hbm>>
      %dma_start3A_170 = arith.constant 0 : i32
      %dma_start3A_171 = tpu.memref_slice %arg11[%add3A_165, %dma_start3A_170] : memref<512x64xf32, #tpu.memory_space<vmem>> -> memref<1x64xf32, #tpu.memory_space<vmem>>
      %dma_start3A_172 = arith.constant 0 : i32
      %dma_start3A_173 = tpu.memref_slice %arg6[%squeeze3A_161, %dma_start3A_172] : memref<1000000x64xf32, #tpu.memory_space<hbm>> -> memref<1x64xf32, #tpu.memory_space<hbm>>
      tpu.enqueue_dma source(%dma_start3A_173 : memref<1x64xf32, #tpu.memory_space<hbm>>) target(%dma_start3A_171 : memref<1x64xf32, #tpu.memory_space<vmem>>) target_semaphore(%arg12 : memref<!tpu.dma_semaphore, #tpu.memory_space<semaphore_mem>>)
      %slice3A_174 = vector.extract_strided_slice %get3A_50 {offsets = [9], sizes = [1], strides = [1]} : vector<16xi32> to vector<1xi32>
      %squeeze3A_175 = vector.extract %slice3A_174[0] : i32 from vector<1xi32>
      %mul3A_176 = arith.constant 16 : i32
      %mul3A_177 = arith.muli %scan3A_41, %mul3A_176 : i32
      %add3A_178 = arith.constant 9 : i32
      %add3A_179 = arith.addi %mul3A_177, %add3A_178 : i32
      %dma_start3A_180 = arith.constant 0 : i32
      %dma_start3A_181 = tpu.memref_slice %arg11[%add3A_179, %dma_start3A_180] : memref<512x64xf32, #tpu.memory_space<vmem>> -> memref<1x64xf32, #tpu.memory_space<vmem>>
      %dma_start3A_182 = arith.constant 0 : i32
      %dma_start3A_183 = tpu.memref_slice %arg6[%squeeze3A_175, %dma_start3A_182] : memref<1000000x64xf32, #tpu.memory_space<hbm>> -> memref<1x64xf32, #tpu.memory_space<hbm>>
      %dma_start3A_184 = arith.constant 0 : i32
      %dma_start3A_185 = tpu.memref_slice %arg11[%add3A_179, %dma_start3A_184] : memref<512x64xf32, #tpu.memory_space<vmem>> -> memref<1x64xf32, #tpu.memory_space<vmem>>
      %dma_start3A_186 = arith.constant 0 : i32
      %dma_start3A_187 = tpu.memref_slice %arg6[%squeeze3A_175, %dma_start3A_186] : memref<1000000x64xf32, #tpu.memory_space<hbm>> -> memref<1x64xf32, #tpu.memory_space<hbm>>
      tpu.enqueue_dma source(%dma_start3A_187 : memref<1x64xf32, #tpu.memory_space<hbm>>) target(%dma_start3A_185 : memref<1x64xf32, #tpu.memory_space<vmem>>) target_semaphore(%arg12 : memref<!tpu.dma_semaphore, #tpu.memory_space<semaphore_mem>>)
      %slice3A_188 = vector.extract_strided_slice %get3A_50 {offsets = [10], sizes = [1], strides = [1]} : vector<16xi32> to vector<1xi32>
      %squeeze3A_189 = vector.extract %slice3A_188[0] : i32 from vector<1xi32>
      %mul3A_190 = arith.constant 16 : i32
      %mul3A_191 = arith.muli %scan3A_41, %mul3A_190 : i32
      %add3A_192 = arith.constant 10 : i32
      %add3A_193 = arith.addi %mul3A_191, %add3A_192 : i32
      %dma_start3A_194 = arith.constant 0 : i32
      %dma_start3A_195 = tpu.memref_slice %arg11[%add3A_193, %dma_start3A_194] : memref<512x64xf32, #tpu.memory_space<vmem>> -> memref<1x64xf32, #tpu.memory_space<vmem>>
      %dma_start3A_196 = arith.constant 0 : i32
      %dma_start3A_197 = tpu.memref_slice %arg6[%squeeze3A_189, %dma_start3A_196] : memref<1000000x64xf32, #tpu.memory_space<hbm>> -> memref<1x64xf32, #tpu.memory_space<hbm>>
      %dma_start3A_198 = arith.constant 0 : i32
      %dma_start3A_199 = tpu.memref_slice %arg11[%add3A_193, %dma_start3A_198] : memref<512x64xf32, #tpu.memory_space<vmem>> -> memref<1x64xf32, #tpu.memory_space<vmem>>
      %dma_start3A_200 = arith.constant 0 : i32
      %dma_start3A_201 = tpu.memref_slice %arg6[%squeeze3A_189, %dma_start3A_200] : memref<1000000x64xf32, #tpu.memory_space<hbm>> -> memref<1x64xf32, #tpu.memory_space<hbm>>
      tpu.enqueue_dma source(%dma_start3A_201 : memref<1x64xf32, #tpu.memory_space<hbm>>) target(%dma_start3A_199 : memref<1x64xf32, #tpu.memory_space<vmem>>) target_semaphore(%arg12 : memref<!tpu.dma_semaphore, #tpu.memory_space<semaphore_mem>>)
      %slice3A_202 = vector.extract_strided_slice %get3A_50 {offsets = [11], sizes = [1], strides = [1]} : vector<16xi32> to vector<1xi32>
      %squeeze3A_203 = vector.extract %slice3A_202[0] : i32 from vector<1xi32>
      %mul3A_204 = arith.constant 16 : i32
      %mul3A_205 = arith.muli %scan3A_41, %mul3A_204 : i32
      %add3A_206 = arith.constant 11 : i32
      %add3A_207 = arith.addi %mul3A_205, %add3A_206 : i32
      %dma_start3A_208 = arith.constant 0 : i32
      %dma_start3A_209 = tpu.memref_slice %arg11[%add3A_207, %dma_start3A_208] : memref<512x64xf32, #tpu.memory_space<vmem>> -> memref<1x64xf32, #tpu.memory_space<vmem>>
      %dma_start3A_210 = arith.constant 0 : i32
      %dma_start3A_211 = tpu.memref_slice %arg6[%squeeze3A_203, %dma_start3A_210] : memref<1000000x64xf32, #tpu.memory_space<hbm>> -> memref<1x64xf32, #tpu.memory_space<hbm>>
      %dma_start3A_212 = arith.constant 0 : i32
      %dma_start3A_213 = tpu.memref_slice %arg11[%add3A_207, %dma_start3A_212] : memref<512x64xf32, #tpu.memory_space<vmem>> -> memref<1x64xf32, #tpu.memory_space<vmem>>
      %dma_start3A_214 = arith.constant 0 : i32
      %dma_start3A_215 = tpu.memref_slice %arg6[%squeeze3A_203, %dma_start3A_214] : memref<1000000x64xf32, #tpu.memory_space<hbm>> -> memref<1x64xf32, #tpu.memory_space<hbm>>
      tpu.enqueue_dma source(%dma_start3A_215 : memref<1x64xf32, #tpu.memory_space<hbm>>) target(%dma_start3A_213 : memref<1x64xf32, #tpu.memory_space<vmem>>) target_semaphore(%arg12 : memref<!tpu.dma_semaphore, #tpu.memory_space<semaphore_mem>>)
      %slice3A_216 = vector.extract_strided_slice %get3A_50 {offsets = [12], sizes = [1], strides = [1]} : vector<16xi32> to vector<1xi32>
      %squeeze3A_217 = vector.extract %slice3A_216[0] : i32 from vector<1xi32>
      %mul3A_218 = arith.constant 16 : i32
      %mul3A_219 = arith.muli %scan3A_41, %mul3A_218 : i32
      %add3A_220 = arith.constant 12 : i32
      %add3A_221 = arith.addi %mul3A_219, %add3A_220 : i32
      %dma_start3A_222 = arith.constant 0 : i32
      %dma_start3A_223 = tpu.memref_slice %arg11[%add3A_221, %dma_start3A_222] : memref<512x64xf32, #tpu.memory_space<vmem>> -> memref<1x64xf32, #tpu.memory_space<vmem>>
      %dma_start3A_224 = arith.constant 0 : i32
      %dma_start3A_225 = tpu.memref_slice %arg6[%squeeze3A_217, %dma_start3A_224] : memref<1000000x64xf32, #tpu.memory_space<hbm>> -> memref<1x64xf32, #tpu.memory_space<hbm>>
      %dma_start3A_226 = arith.constant 0 : i32
      %dma_start3A_227 = tpu.memref_slice %arg11[%add3A_221, %dma_start3A_226] : memref<512x64xf32, #tpu.memory_space<vmem>> -> memref<1x64xf32, #tpu.memory_space<vmem>>
      %dma_start3A_228 = arith.constant 0 : i32
      %dma_start3A_229 = tpu.memref_slice %arg6[%squeeze3A_217, %dma_start3A_228] : memref<1000000x64xf32, #tpu.memory_space<hbm>> -> memref<1x64xf32, #tpu.memory_space<hbm>>
      tpu.enqueue_dma source(%dma_start3A_229 : memref<1x64xf32, #tpu.memory_space<hbm>>) target(%dma_start3A_227 : memref<1x64xf32, #tpu.memory_space<vmem>>) target_semaphore(%arg12 : memref<!tpu.dma_semaphore, #tpu.memory_space<semaphore_mem>>)
      %slice3A_230 = vector.extract_strided_slice %get3A_50 {offsets = [13], sizes = [1], strides = [1]} : vector<16xi32> to vector<1xi32>
      %squeeze3A_231 = vector.extract %slice3A_230[0] : i32 from vector<1xi32>
      %mul3A_232 = arith.constant 16 : i32
      %mul3A_233 = arith.muli %scan3A_41, %mul3A_232 : i32
      %add3A_234 = arith.constant 13 : i32
      %add3A_235 = arith.addi %mul3A_233, %add3A_234 : i32
      %dma_start3A_236 = arith.constant 0 : i32
      %dma_start3A_237 = tpu.memref_slice %arg11[%add3A_235, %dma_start3A_236] : memref<512x64xf32, #tpu.memory_space<vmem>> -> memref<1x64xf32, #tpu.memory_space<vmem>>
      %dma_start3A_238 = arith.constant 0 : i32
      %dma_start3A_239 = tpu.memref_slice %arg6[%squeeze3A_231, %dma_start3A_238] : memref<1000000x64xf32, #tpu.memory_space<hbm>> -> memref<1x64xf32, #tpu.memory_space<hbm>>
      %dma_start3A_240 = arith.constant 0 : i32
      %dma_start3A_241 = tpu.memref_slice %arg11[%add3A_235, %dma_start3A_240] : memref<512x64xf32, #tpu.memory_space<vmem>> -> memref<1x64xf32, #tpu.memory_space<vmem>>
      %dma_start3A_242 = arith.constant 0 : i32
      %dma_start3A_243 = tpu.memref_slice %arg6[%squeeze3A_231, %dma_start3A_242] : memref<1000000x64xf32, #tpu.memory_space<hbm>> -> memref<1x64xf32, #tpu.memory_space<hbm>>
      tpu.enqueue_dma source(%dma_start3A_243 : memref<1x64xf32, #tpu.memory_space<hbm>>) target(%dma_start3A_241 : memref<1x64xf32, #tpu.memory_space<vmem>>) target_semaphore(%arg12 : memref<!tpu.dma_semaphore, #tpu.memory_space<semaphore_mem>>)
      %slice3A_244 = vector.extract_strided_slice %get3A_50 {offsets = [14], sizes = [1], strides = [1]} : vector<16xi32> to vector<1xi32>
      %squeeze3A_245 = vector.extract %slice3A_244[0] : i32 from vector<1xi32>
      %mul3A_246 = arith.constant 16 : i32
      %mul3A_247 = arith.muli %scan3A_41, %mul3A_246 : i32
      %add3A_248 = arith.constant 14 : i32
      %add3A_249 = arith.addi %mul3A_247, %add3A_248 : i32
      %dma_start3A_250 = arith.constant 0 : i32
      %dma_start3A_251 = tpu.memref_slice %arg11[%add3A_249, %dma_start3A_250] : memref<512x64xf32, #tpu.memory_space<vmem>> -> memref<1x64xf32, #tpu.memory_space<vmem>>
      %dma_start3A_252 = arith.constant 0 : i32
      %dma_start3A_253 = tpu.memref_slice %arg6[%squeeze3A_245, %dma_start3A_252] : memref<1000000x64xf32, #tpu.memory_space<hbm>> -> memref<1x64xf32, #tpu.memory_space<hbm>>
      %dma_start3A_254 = arith.constant 0 : i32
      %dma_start3A_255 = tpu.memref_slice %arg11[%add3A_249, %dma_start3A_254] : memref<512x64xf32, #tpu.memory_space<vmem>> -> memref<1x64xf32, #tpu.memory_space<vmem>>
      %dma_start3A_256 = arith.constant 0 : i32
      %dma_start3A_257 = tpu.memref_slice %arg6[%squeeze3A_245, %dma_start3A_256] : memref<1000000x64xf32, #tpu.memory_space<hbm>> -> memref<1x64xf32, #tpu.memory_space<hbm>>
      tpu.enqueue_dma source(%dma_start3A_257 : memref<1x64xf32, #tpu.memory_space<hbm>>) target(%dma_start3A_255 : memref<1x64xf32, #tpu.memory_space<vmem>>) target_semaphore(%arg12 : memref<!tpu.dma_semaphore, #tpu.memory_space<semaphore_mem>>)
      %slice3A_258 = vector.extract_strided_slice %get3A_50 {offsets = [15], sizes = [1], strides = [1]} : vector<16xi32> to vector<1xi32>
      %squeeze3A_259 = vector.extract %slice3A_258[0] : i32 from vector<1xi32>
      %mul3A_260 = arith.constant 16 : i32
      %mul3A_261 = arith.muli %scan3A_41, %mul3A_260 : i32
      %add3A_262 = arith.constant 15 : i32
      %add3A_263 = arith.addi %mul3A_261, %add3A_262 : i32
      %dma_start3A_264 = arith.constant 0 : i32
      %dma_start3A_265 = tpu.memref_slice %arg11[%add3A_263, %dma_start3A_264] : memref<512x64xf32, #tpu.memory_space<vmem>> -> memref<1x64xf32, #tpu.memory_space<vmem>>
      %dma_start3A_266 = arith.constant 0 : i32
      %dma_start3A_267 = tpu.memref_slice %arg6[%squeeze3A_259, %dma_start3A_266] : memref<1000000x64xf32, #tpu.memory_space<hbm>> -> memref<1x64xf32, #tpu.memory_space<hbm>>
      %dma_start3A_268 = arith.constant 0 : i32
      %dma_start3A_269 = tpu.memref_slice %arg11[%add3A_263, %dma_start3A_268] : memref<512x64xf32, #tpu.memory_space<vmem>> -> memref<1x64xf32, #tpu.memory_space<vmem>>
      %dma_start3A_270 = arith.constant 0 : i32
      %dma_start3A_271 = tpu.memref_slice %arg6[%squeeze3A_259, %dma_start3A_270] : memref<1000000x64xf32, #tpu.memory_space<hbm>> -> memref<1x64xf32, #tpu.memory_space<hbm>>
      tpu.enqueue_dma source(%dma_start3A_271 : memref<1x64xf32, #tpu.memory_space<hbm>>) target(%dma_start3A_269 : memref<1x64xf32, #tpu.memory_space<vmem>>) target_semaphore(%arg12 : memref<!tpu.dma_semaphore, #tpu.memory_space<semaphore_mem>>)
    }
    %scan3A_11 = arith.constant 32 : i32
    %dma_wait3A = arith.constant 0 : i32
    %dma_wait3A_12 = arith.constant 0 : i32
    %dma_wait3A_13 = tpu.memref_slice %arg6[%dma_wait3A, %dma_wait3A_12] : memref<1000000x64xf32, #tpu.memory_space<hbm>> -> memref<512x64xf32, #tpu.memory_space<hbm>>
    %dma_wait3A_14 = arith.constant 0 : i32
    %dma_wait3A_15 = arith.constant 0 : i32
    %dma_wait3A_16 = tpu.memref_slice %arg6[%dma_wait3A_14, %dma_wait3A_15] : memref<1000000x64xf32, #tpu.memory_space<hbm>> -> memref<512x64xf32, #tpu.memory_space<hbm>>
    tpu.wait_dma2 semaphore(%arg12 : memref<!tpu.dma_semaphore, #tpu.memory_space<semaphore_mem>>) src(%dma_wait3A_16 : memref<512x64xf32, #tpu.memory_space<hbm>>) dst(%arg11 : memref<512x64xf32, #tpu.memory_space<vmem>>)
    "tpu.region"() ({
      %run_scoped3A_41 = tpu.sem_alloc : memref<!tpu.dma_semaphore, #tpu.memory_space<semaphore_mem>>
      %dma_start3A = arith.constant 0 : i32
      %dma_start3A_42 = tpu.memref_slice %arg7[%mul3A_2, %dma_start3A] : memref<16384x64xf32, #tpu.memory_space<hbm>> -> memref<512x64xf32, #tpu.memory_space<hbm>>
      %dma_start3A_43 = arith.constant 0 : i32
      %dma_start3A_44 = tpu.memref_slice %arg7[%mul3A_2, %dma_start3A_43] : memref<16384x64xf32, #tpu.memory_space<hbm>> -> memref<512x64xf32, #tpu.memory_space<hbm>>
      tpu.enqueue_dma source(%arg11 : memref<512x64xf32, #tpu.memory_space<vmem>>) target(%dma_start3A_44 : memref<512x64xf32, #tpu.memory_space<hbm>>) target_semaphore(%run_scoped3A_41 : memref<!tpu.dma_semaphore, #tpu.memory_space<semaphore_mem>>)
      %dma_wait3A_45 = arith.constant 0 : i32
      %dma_wait3A_46 = tpu.memref_slice %arg7[%mul3A_2, %dma_wait3A_45] : memref<16384x64xf32, #tpu.memory_space<hbm>> -> memref<512x64xf32, #tpu.memory_space<hbm>>
      %dma_wait3A_47 = arith.constant 0 : i32
      %dma_wait3A_48 = tpu.memref_slice %arg7[%mul3A_2, %dma_wait3A_47] : memref<16384x64xf32, #tpu.memory_space<hbm>> -> memref<512x64xf32, #tpu.memory_space<hbm>>
      tpu.wait_dma2 semaphore(%run_scoped3A_41 : memref<!tpu.dma_semaphore, #tpu.memory_space<semaphore_mem>>) src(%arg11 : memref<512x64xf32, #tpu.memory_space<vmem>>) dst(%dma_wait3A_48 : memref<512x64xf32, #tpu.memory_space<hbm>>)
      tpu.yield
    }) : () -> ()
    %scan3A_17 = arith.constant 0 : i32
    %scan3A_18 = arith.constant 0 : i32
    %scan3A_19 = arith.constant 32 : i32
    %scan3A_20 = arith.addi %scan3A_18, %scan3A_19 : i32
    %scan3A_21 = arith.constant 1 : i32
    scf.for %scan3A_41 = %scan3A_18 to %scan3A_20 step %scan3A_21  : i32 {
      %shift_right_logical3A = arith.constant 3 : i32
      %shift_right_logical3A_42 = arith.shrui %scan3A_41, %shift_right_logical3A : i32
      %and3A = arith.constant 7 : i32
      %and3A_43 = arith.andi %scan3A_41, %and3A : i32
      %mul3A_44 = arith.constant 16 : i32
      %mul3A_45 = arith.muli %and3A_43, %mul3A_44 : i32
      %get3A = arith.constant 1 : i32
      %get3A_46 = arith.index_cast %get3A : i32 to index
      %get3A_47 = arith.index_cast %shift_right_logical3A_42 : i32 to index
      %get3A_48 = arith.index_cast %mul3A_45 : i32 to index
      %get3A_49 = tpu.vector_load %arg10[%get3A_46, %get3A_47, %get3A_48] {strides = array<i32>} : memref<3x4x128xi32, #tpu.memory_space<vmem>>, vector<1x1x16xi32>,
      %get3A_50 = vector.shape_cast %get3A_49 : vector<1x1x16xi32> to vector<16xi32>
      %slice3A = vector.extract_strided_slice %get3A_50 {offsets = [0], sizes = [1], strides = [1]} : vector<16xi32> to vector<1xi32>
      %squeeze3A = vector.extract %slice3A[0] : i32 from vector<1xi32>
      %mul3A_51 = arith.constant 16 : i32
      %mul3A_52 = arith.muli %scan3A_41, %mul3A_51 : i32
      %add3A_53 = arith.constant 0 : i32
      %add3A_54 = arith.addi %mul3A_52, %add3A_53 : i32
      %dma_start3A = arith.constant 0 : i32
      %dma_start3A_55 = tpu.memref_slice %arg11[%add3A_54, %dma_start3A] : memref<512x64xf32, #tpu.memory_space<vmem>> -> memref<1x64xf32, #tpu.memory_space<vmem>>
      %dma_start3A_56 = arith.constant 0 : i32
      %dma_start3A_57 = tpu.memref_slice %arg5[%squeeze3A, %dma_start3A_56] : memref<1000001x64xf32, #tpu.memory_space<hbm>> -> memref<1x64xf32, #tpu.memory_space<hbm>>
      %dma_start3A_58 = arith.constant 0 : i32
      %dma_start3A_59 = tpu.memref_slice %arg11[%add3A_54, %dma_start3A_58] : memref<512x64xf32, #tpu.memory_space<vmem>> -> memref<1x64xf32, #tpu.memory_space<vmem>>
      %dma_start3A_60 = arith.constant 0 : i32
      %dma_start3A_61 = tpu.memref_slice %arg5[%squeeze3A, %dma_start3A_60] : memref<1000001x64xf32, #tpu.memory_space<hbm>> -> memref<1x64xf32, #tpu.memory_space<hbm>>
      tpu.enqueue_dma source(%dma_start3A_61 : memref<1x64xf32, #tpu.memory_space<hbm>>) target(%dma_start3A_59 : memref<1x64xf32, #tpu.memory_space<vmem>>) target_semaphore(%arg12 : memref<!tpu.dma_semaphore, #tpu.memory_space<semaphore_mem>>)
      %slice3A_62 = vector.extract_strided_slice %get3A_50 {offsets = [1], sizes = [1], strides = [1]} : vector<16xi32> to vector<1xi32>
      %squeeze3A_63 = vector.extract %slice3A_62[0] : i32 from vector<1xi32>
      %mul3A_64 = arith.constant 16 : i32
      %mul3A_65 = arith.muli %scan3A_41, %mul3A_64 : i32
      %add3A_66 = arith.constant 1 : i32
      %add3A_67 = arith.addi %mul3A_65, %add3A_66 : i32
      %dma_start3A_68 = arith.constant 0 : i32
      %dma_start3A_69 = tpu.memref_slice %arg11[%add3A_67, %dma_start3A_68] : memref<512x64xf32, #tpu.memory_space<vmem>> -> memref<1x64xf32, #tpu.memory_space<vmem>>
      %dma_start3A_70 = arith.constant 0 : i32
      %dma_start3A_71 = tpu.memref_slice %arg5[%squeeze3A_63, %dma_start3A_70] : memref<1000001x64xf32, #tpu.memory_space<hbm>> -> memref<1x64xf32, #tpu.memory_space<hbm>>
      %dma_start3A_72 = arith.constant 0 : i32
      %dma_start3A_73 = tpu.memref_slice %arg11[%add3A_67, %dma_start3A_72] : memref<512x64xf32, #tpu.memory_space<vmem>> -> memref<1x64xf32, #tpu.memory_space<vmem>>
      %dma_start3A_74 = arith.constant 0 : i32
      %dma_start3A_75 = tpu.memref_slice %arg5[%squeeze3A_63, %dma_start3A_74] : memref<1000001x64xf32, #tpu.memory_space<hbm>> -> memref<1x64xf32, #tpu.memory_space<hbm>>
      tpu.enqueue_dma source(%dma_start3A_75 : memref<1x64xf32, #tpu.memory_space<hbm>>) target(%dma_start3A_73 : memref<1x64xf32, #tpu.memory_space<vmem>>) target_semaphore(%arg12 : memref<!tpu.dma_semaphore, #tpu.memory_space<semaphore_mem>>)
      %slice3A_76 = vector.extract_strided_slice %get3A_50 {offsets = [2], sizes = [1], strides = [1]} : vector<16xi32> to vector<1xi32>
      %squeeze3A_77 = vector.extract %slice3A_76[0] : i32 from vector<1xi32>
      %mul3A_78 = arith.constant 16 : i32
      %mul3A_79 = arith.muli %scan3A_41, %mul3A_78 : i32
      %add3A_80 = arith.constant 2 : i32
      %add3A_81 = arith.addi %mul3A_79, %add3A_80 : i32
      %dma_start3A_82 = arith.constant 0 : i32
      %dma_start3A_83 = tpu.memref_slice %arg11[%add3A_81, %dma_start3A_82] : memref<512x64xf32, #tpu.memory_space<vmem>> -> memref<1x64xf32, #tpu.memory_space<vmem>>
      %dma_start3A_84 = arith.constant 0 : i32
      %dma_start3A_85 = tpu.memref_slice %arg5[%squeeze3A_77, %dma_start3A_84] : memref<1000001x64xf32, #tpu.memory_space<hbm>> -> memref<1x64xf32, #tpu.memory_space<hbm>>
      %dma_start3A_86 = arith.constant 0 : i32
      %dma_start3A_87 = tpu.memref_slice %arg11[%add3A_81, %dma_start3A_86] : memref<512x64xf32, #tpu.memory_space<vmem>> -> memref<1x64xf32, #tpu.memory_space<vmem>>
      %dma_start3A_88 = arith.constant 0 : i32
      %dma_start3A_89 = tpu.memref_slice %arg5[%squeeze3A_77, %dma_start3A_88] : memref<1000001x64xf32, #tpu.memory_space<hbm>> -> memref<1x64xf32, #tpu.memory_space<hbm>>
      tpu.enqueue_dma source(%dma_start3A_89 : memref<1x64xf32, #tpu.memory_space<hbm>>) target(%dma_start3A_87 : memref<1x64xf32, #tpu.memory_space<vmem>>) target_semaphore(%arg12 : memref<!tpu.dma_semaphore, #tpu.memory_space<semaphore_mem>>)
      %slice3A_90 = vector.extract_strided_slice %get3A_50 {offsets = [3], sizes = [1], strides = [1]} : vector<16xi32> to vector<1xi32>
      %squeeze3A_91 = vector.extract %slice3A_90[0] : i32 from vector<1xi32>
      %mul3A_92 = arith.constant 16 : i32
      %mul3A_93 = arith.muli %scan3A_41, %mul3A_92 : i32
      %add3A_94 = arith.constant 3 : i32
      %add3A_95 = arith.addi %mul3A_93, %add3A_94 : i32
      %dma_start3A_96 = arith.constant 0 : i32
      %dma_start3A_97 = tpu.memref_slice %arg11[%add3A_95, %dma_start3A_96] : memref<512x64xf32, #tpu.memory_space<vmem>> -> memref<1x64xf32, #tpu.memory_space<vmem>>
      %dma_start3A_98 = arith.constant 0 : i32
      %dma_start3A_99 = tpu.memref_slice %arg5[%squeeze3A_91, %dma_start3A_98] : memref<1000001x64xf32, #tpu.memory_space<hbm>> -> memref<1x64xf32, #tpu.memory_space<hbm>>
      %dma_start3A_100 = arith.constant 0 : i32
      %dma_start3A_101 = tpu.memref_slice %arg11[%add3A_95, %dma_start3A_100] : memref<512x64xf32, #tpu.memory_space<vmem>> -> memref<1x64xf32, #tpu.memory_space<vmem>>
      %dma_start3A_102 = arith.constant 0 : i32
      %dma_start3A_103 = tpu.memref_slice %arg5[%squeeze3A_91, %dma_start3A_102] : memref<1000001x64xf32, #tpu.memory_space<hbm>> -> memref<1x64xf32, #tpu.memory_space<hbm>>
      tpu.enqueue_dma source(%dma_start3A_103 : memref<1x64xf32, #tpu.memory_space<hbm>>) target(%dma_start3A_101 : memref<1x64xf32, #tpu.memory_space<vmem>>) target_semaphore(%arg12 : memref<!tpu.dma_semaphore, #tpu.memory_space<semaphore_mem>>)
      %slice3A_104 = vector.extract_strided_slice %get3A_50 {offsets = [4], sizes = [1], strides = [1]} : vector<16xi32> to vector<1xi32>
      %squeeze3A_105 = vector.extract %slice3A_104[0] : i32 from vector<1xi32>
      %mul3A_106 = arith.constant 16 : i32
      %mul3A_107 = arith.muli %scan3A_41, %mul3A_106 : i32
      %add3A_108 = arith.constant 4 : i32
      %add3A_109 = arith.addi %mul3A_107, %add3A_108 : i32
      %dma_start3A_110 = arith.constant 0 : i32
      %dma_start3A_111 = tpu.memref_slice %arg11[%add3A_109, %dma_start3A_110] : memref<512x64xf32, #tpu.memory_space<vmem>> -> memref<1x64xf32, #tpu.memory_space<vmem>>
      %dma_start3A_112 = arith.constant 0 : i32
      %dma_start3A_113 = tpu.memref_slice %arg5[%squeeze3A_105, %dma_start3A_112] : memref<1000001x64xf32, #tpu.memory_space<hbm>> -> memref<1x64xf32, #tpu.memory_space<hbm>>
      %dma_start3A_114 = arith.constant 0 : i32
      %dma_start3A_115 = tpu.memref_slice %arg11[%add3A_109, %dma_start3A_114] : memref<512x64xf32, #tpu.memory_space<vmem>> -> memref<1x64xf32, #tpu.memory_space<vmem>>
      %dma_start3A_116 = arith.constant 0 : i32
      %dma_start3A_117 = tpu.memref_slice %arg5[%squeeze3A_105, %dma_start3A_116] : memref<1000001x64xf32, #tpu.memory_space<hbm>> -> memref<1x64xf32, #tpu.memory_space<hbm>>
      tpu.enqueue_dma source(%dma_start3A_117 : memref<1x64xf32, #tpu.memory_space<hbm>>) target(%dma_start3A_115 : memref<1x64xf32, #tpu.memory_space<vmem>>) target_semaphore(%arg12 : memref<!tpu.dma_semaphore, #tpu.memory_space<semaphore_mem>>)
      %slice3A_118 = vector.extract_strided_slice %get3A_50 {offsets = [5], sizes = [1], strides = [1]} : vector<16xi32> to vector<1xi32>
      %squeeze3A_119 = vector.extract %slice3A_118[0] : i32 from vector<1xi32>
      %mul3A_120 = arith.constant 16 : i32
      %mul3A_121 = arith.muli %scan3A_41, %mul3A_120 : i32
      %add3A_122 = arith.constant 5 : i32
      %add3A_123 = arith.addi %mul3A_121, %add3A_122 : i32
      %dma_start3A_124 = arith.constant 0 : i32
      %dma_start3A_125 = tpu.memref_slice %arg11[%add3A_123, %dma_start3A_124] : memref<512x64xf32, #tpu.memory_space<vmem>> -> memref<1x64xf32, #tpu.memory_space<vmem>>
      %dma_start3A_126 = arith.constant 0 : i32
      %dma_start3A_127 = tpu.memref_slice %arg5[%squeeze3A_119, %dma_start3A_126] : memref<1000001x64xf32, #tpu.memory_space<hbm>> -> memref<1x64xf32, #tpu.memory_space<hbm>>
      %dma_start3A_128 = arith.constant 0 : i32
      %dma_start3A_129 = tpu.memref_slice %arg11[%add3A_123, %dma_start3A_128] : memref<512x64xf32, #tpu.memory_space<vmem>> -> memref<1x64xf32, #tpu.memory_space<vmem>>
      %dma_start3A_130 = arith.constant 0 : i32
      %dma_start3A_131 = tpu.memref_slice %arg5[%squeeze3A_119, %dma_start3A_130] : memref<1000001x64xf32, #tpu.memory_space<hbm>> -> memref<1x64xf32, #tpu.memory_space<hbm>>
      tpu.enqueue_dma source(%dma_start3A_131 : memref<1x64xf32, #tpu.memory_space<hbm>>) target(%dma_start3A_129 : memref<1x64xf32, #tpu.memory_space<vmem>>) target_semaphore(%arg12 : memref<!tpu.dma_semaphore, #tpu.memory_space<semaphore_mem>>)
      %slice3A_132 = vector.extract_strided_slice %get3A_50 {offsets = [6], sizes = [1], strides = [1]} : vector<16xi32> to vector<1xi32>
      %squeeze3A_133 = vector.extract %slice3A_132[0] : i32 from vector<1xi32>
      %mul3A_134 = arith.constant 16 : i32
      %mul3A_135 = arith.muli %scan3A_41, %mul3A_134 : i32
      %add3A_136 = arith.constant 6 : i32
      %add3A_137 = arith.addi %mul3A_135, %add3A_136 : i32
      %dma_start3A_138 = arith.constant 0 : i32
      %dma_start3A_139 = tpu.memref_slice %arg11[%add3A_137, %dma_start3A_138] : memref<512x64xf32, #tpu.memory_space<vmem>> -> memref<1x64xf32, #tpu.memory_space<vmem>>
      %dma_start3A_140 = arith.constant 0 : i32
      %dma_start3A_141 = tpu.memref_slice %arg5[%squeeze3A_133, %dma_start3A_140] : memref<1000001x64xf32, #tpu.memory_space<hbm>> -> memref<1x64xf32, #tpu.memory_space<hbm>>
      %dma_start3A_142 = arith.constant 0 : i32
      %dma_start3A_143 = tpu.memref_slice %arg11[%add3A_137, %dma_start3A_142] : memref<512x64xf32, #tpu.memory_space<vmem>> -> memref<1x64xf32, #tpu.memory_space<vmem>>
      %dma_start3A_144 = arith.constant 0 : i32
      %dma_start3A_145 = tpu.memref_slice %arg5[%squeeze3A_133, %dma_start3A_144] : memref<1000001x64xf32, #tpu.memory_space<hbm>> -> memref<1x64xf32, #tpu.memory_space<hbm>>
      tpu.enqueue_dma source(%dma_start3A_145 : memref<1x64xf32, #tpu.memory_space<hbm>>) target(%dma_start3A_143 : memref<1x64xf32, #tpu.memory_space<vmem>>) target_semaphore(%arg12 : memref<!tpu.dma_semaphore, #tpu.memory_space<semaphore_mem>>)
      %slice3A_146 = vector.extract_strided_slice %get3A_50 {offsets = [7], sizes = [1], strides = [1]} : vector<16xi32> to vector<1xi32>
      %squeeze3A_147 = vector.extract %slice3A_146[0] : i32 from vector<1xi32>
      %mul3A_148 = arith.constant 16 : i32
      %mul3A_149 = arith.muli %scan3A_41, %mul3A_148 : i32
      %add3A_150 = arith.constant 7 : i32
      %add3A_151 = arith.addi %mul3A_149, %add3A_150 : i32
      %dma_start3A_152 = arith.constant 0 : i32
      %dma_start3A_153 = tpu.memref_slice %arg11[%add3A_151, %dma_start3A_152] : memref<512x64xf32, #tpu.memory_space<vmem>> -> memref<1x64xf32, #tpu.memory_space<vmem>>
      %dma_start3A_154 = arith.constant 0 : i32
      %dma_start3A_155 = tpu.memref_slice %arg5[%squeeze3A_147, %dma_start3A_154] : memref<1000001x64xf32, #tpu.memory_space<hbm>> -> memref<1x64xf32, #tpu.memory_space<hbm>>
      %dma_start3A_156 = arith.constant 0 : i32
      %dma_start3A_157 = tpu.memref_slice %arg11[%add3A_151, %dma_start3A_156] : memref<512x64xf32, #tpu.memory_space<vmem>> -> memref<1x64xf32, #tpu.memory_space<vmem>>
      %dma_start3A_158 = arith.constant 0 : i32
      %dma_start3A_159 = tpu.memref_slice %arg5[%squeeze3A_147, %dma_start3A_158] : memref<1000001x64xf32, #tpu.memory_space<hbm>> -> memref<1x64xf32, #tpu.memory_space<hbm>>
      tpu.enqueue_dma source(%dma_start3A_159 : memref<1x64xf32, #tpu.memory_space<hbm>>) target(%dma_start3A_157 : memref<1x64xf32, #tpu.memory_space<vmem>>) target_semaphore(%arg12 : memref<!tpu.dma_semaphore, #tpu.memory_space<semaphore_mem>>)
      %slice3A_160 = vector.extract_strided_slice %get3A_50 {offsets = [8], sizes = [1], strides = [1]} : vector<16xi32> to vector<1xi32>
      %squeeze3A_161 = vector.extract %slice3A_160[0] : i32 from vector<1xi32>
      %mul3A_162 = arith.constant 16 : i32
      %mul3A_163 = arith.muli %scan3A_41, %mul3A_162 : i32
      %add3A_164 = arith.constant 8 : i32
      %add3A_165 = arith.addi %mul3A_163, %add3A_164 : i32
      %dma_start3A_166 = arith.constant 0 : i32
      %dma_start3A_167 = tpu.memref_slice %arg11[%add3A_165, %dma_start3A_166] : memref<512x64xf32, #tpu.memory_space<vmem>> -> memref<1x64xf32, #tpu.memory_space<vmem>>
      %dma_start3A_168 = arith.constant 0 : i32
      %dma_start3A_169 = tpu.memref_slice %arg5[%squeeze3A_161, %dma_start3A_168] : memref<1000001x64xf32, #tpu.memory_space<hbm>> -> memref<1x64xf32, #tpu.memory_space<hbm>>
      %dma_start3A_170 = arith.constant 0 : i32
      %dma_start3A_171 = tpu.memref_slice %arg11[%add3A_165, %dma_start3A_170] : memref<512x64xf32, #tpu.memory_space<vmem>> -> memref<1x64xf32, #tpu.memory_space<vmem>>
      %dma_start3A_172 = arith.constant 0 : i32
      %dma_start3A_173 = tpu.memref_slice %arg5[%squeeze3A_161, %dma_start3A_172] : memref<1000001x64xf32, #tpu.memory_space<hbm>> -> memref<1x64xf32, #tpu.memory_space<hbm>>
      tpu.enqueue_dma source(%dma_start3A_173 : memref<1x64xf32, #tpu.memory_space<hbm>>) target(%dma_start3A_171 : memref<1x64xf32, #tpu.memory_space<vmem>>) target_semaphore(%arg12 : memref<!tpu.dma_semaphore, #tpu.memory_space<semaphore_mem>>)
      %slice3A_174 = vector.extract_strided_slice %get3A_50 {offsets = [9], sizes = [1], strides = [1]} : vector<16xi32> to vector<1xi32>
      %squeeze3A_175 = vector.extract %slice3A_174[0] : i32 from vector<1xi32>
      %mul3A_176 = arith.constant 16 : i32
      %mul3A_177 = arith.muli %scan3A_41, %mul3A_176 : i32
      %add3A_178 = arith.constant 9 : i32
      %add3A_179 = arith.addi %mul3A_177, %add3A_178 : i32
      %dma_start3A_180 = arith.constant 0 : i32
      %dma_start3A_181 = tpu.memref_slice %arg11[%add3A_179, %dma_start3A_180] : memref<512x64xf32, #tpu.memory_space<vmem>> -> memref<1x64xf32, #tpu.memory_space<vmem>>
      %dma_start3A_182 = arith.constant 0 : i32
      %dma_start3A_183 = tpu.memref_slice %arg5[%squeeze3A_175, %dma_start3A_182] : memref<1000001x64xf32, #tpu.memory_space<hbm>> -> memref<1x64xf32, #tpu.memory_space<hbm>>
      %dma_start3A_184 = arith.constant 0 : i32
      %dma_start3A_185 = tpu.memref_slice %arg11[%add3A_179, %dma_start3A_184] : memref<512x64xf32, #tpu.memory_space<vmem>> -> memref<1x64xf32, #tpu.memory_space<vmem>>
      %dma_start3A_186 = arith.constant 0 : i32
      %dma_start3A_187 = tpu.memref_slice %arg5[%squeeze3A_175, %dma_start3A_186] : memref<1000001x64xf32, #tpu.memory_space<hbm>> -> memref<1x64xf32, #tpu.memory_space<hbm>>
      tpu.enqueue_dma source(%dma_start3A_187 : memref<1x64xf32, #tpu.memory_space<hbm>>) target(%dma_start3A_185 : memref<1x64xf32, #tpu.memory_space<vmem>>) target_semaphore(%arg12 : memref<!tpu.dma_semaphore, #tpu.memory_space<semaphore_mem>>)
      %slice3A_188 = vector.extract_strided_slice %get3A_50 {offsets = [10], sizes = [1], strides = [1]} : vector<16xi32> to vector<1xi32>
      %squeeze3A_189 = vector.extract %slice3A_188[0] : i32 from vector<1xi32>
      %mul3A_190 = arith.constant 16 : i32
      %mul3A_191 = arith.muli %scan3A_41, %mul3A_190 : i32
      %add3A_192 = arith.constant 10 : i32
      %add3A_193 = arith.addi %mul3A_191, %add3A_192 : i32
      %dma_start3A_194 = arith.constant 0 : i32
      %dma_start3A_195 = tpu.memref_slice %arg11[%add3A_193, %dma_start3A_194] : memref<512x64xf32, #tpu.memory_space<vmem>> -> memref<1x64xf32, #tpu.memory_space<vmem>>
      %dma_start3A_196 = arith.constant 0 : i32
      %dma_start3A_197 = tpu.memref_slice %arg5[%squeeze3A_189, %dma_start3A_196] : memref<1000001x64xf32, #tpu.memory_space<hbm>> -> memref<1x64xf32, #tpu.memory_space<hbm>>
      %dma_start3A_198 = arith.constant 0 : i32
      %dma_start3A_199 = tpu.memref_slice %arg11[%add3A_193, %dma_start3A_198] : memref<512x64xf32, #tpu.memory_space<vmem>> -> memref<1x64xf32, #tpu.memory_space<vmem>>
      %dma_start3A_200 = arith.constant 0 : i32
      %dma_start3A_201 = tpu.memref_slice %arg5[%squeeze3A_189, %dma_start3A_200] : memref<1000001x64xf32, #tpu.memory_space<hbm>> -> memref<1x64xf32, #tpu.memory_space<hbm>>
      tpu.enqueue_dma source(%dma_start3A_201 : memref<1x64xf32, #tpu.memory_space<hbm>>) target(%dma_start3A_199 : memref<1x64xf32, #tpu.memory_space<vmem>>) target_semaphore(%arg12 : memref<!tpu.dma_semaphore, #tpu.memory_space<semaphore_mem>>)
      %slice3A_202 = vector.extract_strided_slice %get3A_50 {offsets = [11], sizes = [1], strides = [1]} : vector<16xi32> to vector<1xi32>
      %squeeze3A_203 = vector.extract %slice3A_202[0] : i32 from vector<1xi32>
      %mul3A_204 = arith.constant 16 : i32
      %mul3A_205 = arith.muli %scan3A_41, %mul3A_204 : i32
      %add3A_206 = arith.constant 11 : i32
      %add3A_207 = arith.addi %mul3A_205, %add3A_206 : i32
      %dma_start3A_208 = arith.constant 0 : i32
      %dma_start3A_209 = tpu.memref_slice %arg11[%add3A_207, %dma_start3A_208] : memref<512x64xf32, #tpu.memory_space<vmem>> -> memref<1x64xf32, #tpu.memory_space<vmem>>
      %dma_start3A_210 = arith.constant 0 : i32
      %dma_start3A_211 = tpu.memref_slice %arg5[%squeeze3A_203, %dma_start3A_210] : memref<1000001x64xf32, #tpu.memory_space<hbm>> -> memref<1x64xf32, #tpu.memory_space<hbm>>
      %dma_start3A_212 = arith.constant 0 : i32
      %dma_start3A_213 = tpu.memref_slice %arg11[%add3A_207, %dma_start3A_212] : memref<512x64xf32, #tpu.memory_space<vmem>> -> memref<1x64xf32, #tpu.memory_space<vmem>>
      %dma_start3A_214 = arith.constant 0 : i32
      %dma_start3A_215 = tpu.memref_slice %arg5[%squeeze3A_203, %dma_start3A_214] : memref<1000001x64xf32, #tpu.memory_space<hbm>> -> memref<1x64xf32, #tpu.memory_space<hbm>>
      tpu.enqueue_dma source(%dma_start3A_215 : memref<1x64xf32, #tpu.memory_space<hbm>>) target(%dma_start3A_213 : memref<1x64xf32, #tpu.memory_space<vmem>>) target_semaphore(%arg12 : memref<!tpu.dma_semaphore, #tpu.memory_space<semaphore_mem>>)
      %slice3A_216 = vector.extract_strided_slice %get3A_50 {offsets = [12], sizes = [1], strides = [1]} : vector<16xi32> to vector<1xi32>
      %squeeze3A_217 = vector.extract %slice3A_216[0] : i32 from vector<1xi32>
      %mul3A_218 = arith.constant 16 : i32
      %mul3A_219 = arith.muli %scan3A_41, %mul3A_218 : i32
      %add3A_220 = arith.constant 12 : i32
      %add3A_221 = arith.addi %mul3A_219, %add3A_220 : i32
      %dma_start3A_222 = arith.constant 0 : i32
      %dma_start3A_223 = tpu.memref_slice %arg11[%add3A_221, %dma_start3A_222] : memref<512x64xf32, #tpu.memory_space<vmem>> -> memref<1x64xf32, #tpu.memory_space<vmem>>
      %dma_start3A_224 = arith.constant 0 : i32
      %dma_start3A_225 = tpu.memref_slice %arg5[%squeeze3A_217, %dma_start3A_224] : memref<1000001x64xf32, #tpu.memory_space<hbm>> -> memref<1x64xf32, #tpu.memory_space<hbm>>
      %dma_start3A_226 = arith.constant 0 : i32
      %dma_start3A_227 = tpu.memref_slice %arg11[%add3A_221, %dma_start3A_226] : memref<512x64xf32, #tpu.memory_space<vmem>> -> memref<1x64xf32, #tpu.memory_space<vmem>>
      %dma_start3A_228 = arith.constant 0 : i32
      %dma_start3A_229 = tpu.memref_slice %arg5[%squeeze3A_217, %dma_start3A_228] : memref<1000001x64xf32, #tpu.memory_space<hbm>> -> memref<1x64xf32, #tpu.memory_space<hbm>>
      tpu.enqueue_dma source(%dma_start3A_229 : memref<1x64xf32, #tpu.memory_space<hbm>>) target(%dma_start3A_227 : memref<1x64xf32, #tpu.memory_space<vmem>>) target_semaphore(%arg12 : memref<!tpu.dma_semaphore, #tpu.memory_space<semaphore_mem>>)
      %slice3A_230 = vector.extract_strided_slice %get3A_50 {offsets = [13], sizes = [1], strides = [1]} : vector<16xi32> to vector<1xi32>
      %squeeze3A_231 = vector.extract %slice3A_230[0] : i32 from vector<1xi32>
      %mul3A_232 = arith.constant 16 : i32
      %mul3A_233 = arith.muli %scan3A_41, %mul3A_232 : i32
      %add3A_234 = arith.constant 13 : i32
      %add3A_235 = arith.addi %mul3A_233, %add3A_234 : i32
      %dma_start3A_236 = arith.constant 0 : i32
      %dma_start3A_237 = tpu.memref_slice %arg11[%add3A_235, %dma_start3A_236] : memref<512x64xf32, #tpu.memory_space<vmem>> -> memref<1x64xf32, #tpu.memory_space<vmem>>
      %dma_start3A_238 = arith.constant 0 : i32
      %dma_start3A_239 = tpu.memref_slice %arg5[%squeeze3A_231, %dma_start3A_238] : memref<1000001x64xf32, #tpu.memory_space<hbm>> -> memref<1x64xf32, #tpu.memory_space<hbm>>
      %dma_start3A_240 = arith.constant 0 : i32
      %dma_start3A_241 = tpu.memref_slice %arg11[%add3A_235, %dma_start3A_240] : memref<512x64xf32, #tpu.memory_space<vmem>> -> memref<1x64xf32, #tpu.memory_space<vmem>>
      %dma_start3A_242 = arith.constant 0 : i32
      %dma_start3A_243 = tpu.memref_slice %arg5[%squeeze3A_231, %dma_start3A_242] : memref<1000001x64xf32, #tpu.memory_space<hbm>> -> memref<1x64xf32, #tpu.memory_space<hbm>>
      tpu.enqueue_dma source(%dma_start3A_243 : memref<1x64xf32, #tpu.memory_space<hbm>>) target(%dma_start3A_241 : memref<1x64xf32, #tpu.memory_space<vmem>>) target_semaphore(%arg12 : memref<!tpu.dma_semaphore, #tpu.memory_space<semaphore_mem>>)
      %slice3A_244 = vector.extract_strided_slice %get3A_50 {offsets = [14], sizes = [1], strides = [1]} : vector<16xi32> to vector<1xi32>
      %squeeze3A_245 = vector.extract %slice3A_244[0] : i32 from vector<1xi32>
      %mul3A_246 = arith.constant 16 : i32
      %mul3A_247 = arith.muli %scan3A_41, %mul3A_246 : i32
      %add3A_248 = arith.constant 14 : i32
      %add3A_249 = arith.addi %mul3A_247, %add3A_248 : i32
      %dma_start3A_250 = arith.constant 0 : i32
      %dma_start3A_251 = tpu.memref_slice %arg11[%add3A_249, %dma_start3A_250] : memref<512x64xf32, #tpu.memory_space<vmem>> -> memref<1x64xf32, #tpu.memory_space<vmem>>
      %dma_start3A_252 = arith.constant 0 : i32
      %dma_start3A_253 = tpu.memref_slice %arg5[%squeeze3A_245, %dma_start3A_252] : memref<1000001x64xf32, #tpu.memory_space<hbm>> -> memref<1x64xf32, #tpu.memory_space<hbm>>
      %dma_start3A_254 = arith.constant 0 : i32
      %dma_start3A_255 = tpu.memref_slice %arg11[%add3A_249, %dma_start3A_254] : memref<512x64xf32, #tpu.memory_space<vmem>> -> memref<1x64xf32, #tpu.memory_space<vmem>>
      %dma_start3A_256 = arith.constant 0 : i32
      %dma_start3A_257 = tpu.memref_slice %arg5[%squeeze3A_245, %dma_start3A_256] : memref<1000001x64xf32, #tpu.memory_space<hbm>> -> memref<1x64xf32, #tpu.memory_space<hbm>>
      tpu.enqueue_dma source(%dma_start3A_257 : memref<1x64xf32, #tpu.memory_space<hbm>>) target(%dma_start3A_255 : memref<1x64xf32, #tpu.memory_space<vmem>>) target_semaphore(%arg12 : memref<!tpu.dma_semaphore, #tpu.memory_space<semaphore_mem>>)
      %slice3A_258 = vector.extract_strided_slice %get3A_50 {offsets = [15], sizes = [1], strides = [1]} : vector<16xi32> to vector<1xi32>
      %squeeze3A_259 = vector.extract %slice3A_258[0] : i32 from vector<1xi32>
      %mul3A_260 = arith.constant 16 : i32
      %mul3A_261 = arith.muli %scan3A_41, %mul3A_260 : i32
      %add3A_262 = arith.constant 15 : i32
      %add3A_263 = arith.addi %mul3A_261, %add3A_262 : i32
      %dma_start3A_264 = arith.constant 0 : i32
      %dma_start3A_265 = tpu.memref_slice %arg11[%add3A_263, %dma_start3A_264] : memref<512x64xf32, #tpu.memory_space<vmem>> -> memref<1x64xf32, #tpu.memory_space<vmem>>
      %dma_start3A_266 = arith.constant 0 : i32
      %dma_start3A_267 = tpu.memref_slice %arg5[%squeeze3A_259, %dma_start3A_266] : memref<1000001x64xf32, #tpu.memory_space<hbm>> -> memref<1x64xf32, #tpu.memory_space<hbm>>
      %dma_start3A_268 = arith.constant 0 : i32
      %dma_start3A_269 = tpu.memref_slice %arg11[%add3A_263, %dma_start3A_268] : memref<512x64xf32, #tpu.memory_space<vmem>> -> memref<1x64xf32, #tpu.memory_space<vmem>>
      %dma_start3A_270 = arith.constant 0 : i32
      %dma_start3A_271 = tpu.memref_slice %arg5[%squeeze3A_259, %dma_start3A_270] : memref<1000001x64xf32, #tpu.memory_space<hbm>> -> memref<1x64xf32, #tpu.memory_space<hbm>>
      tpu.enqueue_dma source(%dma_start3A_271 : memref<1x64xf32, #tpu.memory_space<hbm>>) target(%dma_start3A_269 : memref<1x64xf32, #tpu.memory_space<vmem>>) target_semaphore(%arg12 : memref<!tpu.dma_semaphore, #tpu.memory_space<semaphore_mem>>)
    }
    %scan3A_22 = arith.constant 32 : i32
    %dma_wait3A_23 = arith.constant 0 : i32
    %dma_wait3A_24 = arith.constant 0 : i32
    %dma_wait3A_25 = tpu.memref_slice %arg5[%dma_wait3A_23, %dma_wait3A_24] : memref<1000001x64xf32, #tpu.memory_space<hbm>> -> memref<512x64xf32, #tpu.memory_space<hbm>>
    %dma_wait3A_26 = arith.constant 0 : i32
    %dma_wait3A_27 = arith.constant 0 : i32
    %dma_wait3A_28 = tpu.memref_slice %arg5[%dma_wait3A_26, %dma_wait3A_27] : memref<1000001x64xf32, #tpu.memory_space<hbm>> -> memref<512x64xf32, #tpu.memory_space<hbm>>
    tpu.wait_dma2 semaphore(%arg12 : memref<!tpu.dma_semaphore, #tpu.memory_space<semaphore_mem>>) src(%dma_wait3A_28 : memref<512x64xf32, #tpu.memory_space<hbm>>) dst(%arg11 : memref<512x64xf32, #tpu.memory_space<vmem>>)
    "tpu.region"() ({
      %run_scoped3A_41 = tpu.sem_alloc : memref<!tpu.dma_semaphore, #tpu.memory_space<semaphore_mem>>
      %dma_start3A = arith.constant 0 : i32
      %dma_start3A_42 = tpu.memref_slice %arg8[%mul3A_2, %dma_start3A] : memref<16384x64xf32, #tpu.memory_space<hbm>> -> memref<512x64xf32, #tpu.memory_space<hbm>>
      %dma_start3A_43 = arith.constant 0 : i32
      %dma_start3A_44 = tpu.memref_slice %arg8[%mul3A_2, %dma_start3A_43] : memref<16384x64xf32, #tpu.memory_space<hbm>> -> memref<512x64xf32, #tpu.memory_space<hbm>>
      tpu.enqueue_dma source(%arg11 : memref<512x64xf32, #tpu.memory_space<vmem>>) target(%dma_start3A_44 : memref<512x64xf32, #tpu.memory_space<hbm>>) target_semaphore(%run_scoped3A_41 : memref<!tpu.dma_semaphore, #tpu.memory_space<semaphore_mem>>)
      %dma_wait3A_45 = arith.constant 0 : i32
      %dma_wait3A_46 = tpu.memref_slice %arg8[%mul3A_2, %dma_wait3A_45] : memref<16384x64xf32, #tpu.memory_space<hbm>> -> memref<512x64xf32, #tpu.memory_space<hbm>>
      %dma_wait3A_47 = arith.constant 0 : i32
      %dma_wait3A_48 = tpu.memref_slice %arg8[%mul3A_2, %dma_wait3A_47] : memref<16384x64xf32, #tpu.memory_space<hbm>> -> memref<512x64xf32, #tpu.memory_space<hbm>>
      tpu.wait_dma2 semaphore(%run_scoped3A_41 : memref<!tpu.dma_semaphore, #tpu.memory_space<semaphore_mem>>) src(%arg11 : memref<512x64xf32, #tpu.memory_space<vmem>>) dst(%dma_wait3A_48 : memref<512x64xf32, #tpu.memory_space<hbm>>)
      tpu.yield
    }) : () -> ()
    %scan3A_29 = arith.constant 0 : i32
    %scan3A_30 = arith.constant 0 : i32
    %scan3A_31 = arith.constant 32 : i32
    %scan3A_32 = arith.addi %scan3A_30, %scan3A_31 : i32
    %scan3A_33 = arith.constant 1 : i32
    scf.for %scan3A_41 = %scan3A_30 to %scan3A_32 step %scan3A_33  : i32 {
      %shift_right_logical3A = arith.constant 3 : i32
      %shift_right_logical3A_42 = arith.shrui %scan3A_41, %shift_right_logical3A : i32
      %and3A = arith.constant 7 : i32
      %and3A_43 = arith.andi %scan3A_41, %and3A : i32
      %mul3A_44 = arith.constant 16 : i32
      %mul3A_45 = arith.muli %and3A_43, %mul3A_44 : i32
      %get3A = arith.constant 2 : i32
      %get3A_46 = arith.index_cast %get3A : i32 to index
      %get3A_47 = arith.index_cast %shift_right_logical3A_42 : i32 to index
      %get3A_48 = arith.index_cast %mul3A_45 : i32 to index
      %get3A_49 = tpu.vector_load %arg10[%get3A_46, %get3A_47, %get3A_48] {strides = array<i32>} : memref<3x4x128xi32, #tpu.memory_space<vmem>>, vector<1x1x16xi32>,
      %get3A_50 = vector.shape_cast %get3A_49 : vector<1x1x16xi32> to vector<16xi32>
      %slice3A = vector.extract_strided_slice %get3A_50 {offsets = [0], sizes = [1], strides = [1]} : vector<16xi32> to vector<1xi32>
      %squeeze3A = vector.extract %slice3A[0] : i32 from vector<1xi32>
      %mul3A_51 = arith.constant 16 : i32
      %mul3A_52 = arith.muli %scan3A_41, %mul3A_51 : i32
      %add3A_53 = arith.constant 0 : i32
      %add3A_54 = arith.addi %mul3A_52, %add3A_53 : i32
      %dma_start3A = arith.constant 0 : i32
      %dma_start3A_55 = tpu.memref_slice %arg11[%add3A_54, %dma_start3A] : memref<512x64xf32, #tpu.memory_space<vmem>> -> memref<1x64xf32, #tpu.memory_space<vmem>>
      %dma_start3A_56 = arith.constant 0 : i32
      %dma_start3A_57 = tpu.memref_slice %arg5[%squeeze3A, %dma_start3A_56] : memref<1000001x64xf32, #tpu.memory_space<hbm>> -> memref<1x64xf32, #tpu.memory_space<hbm>>
      %dma_start3A_58 = arith.constant 0 : i32
      %dma_start3A_59 = tpu.memref_slice %arg11[%add3A_54, %dma_start3A_58] : memref<512x64xf32, #tpu.memory_space<vmem>> -> memref<1x64xf32, #tpu.memory_space<vmem>>
      %dma_start3A_60 = arith.constant 0 : i32
      %dma_start3A_61 = tpu.memref_slice %arg5[%squeeze3A, %dma_start3A_60] : memref<1000001x64xf32, #tpu.memory_space<hbm>> -> memref<1x64xf32, #tpu.memory_space<hbm>>
      tpu.enqueue_dma source(%dma_start3A_61 : memref<1x64xf32, #tpu.memory_space<hbm>>) target(%dma_start3A_59 : memref<1x64xf32, #tpu.memory_space<vmem>>) target_semaphore(%arg12 : memref<!tpu.dma_semaphore, #tpu.memory_space<semaphore_mem>>)
      %slice3A_62 = vector.extract_strided_slice %get3A_50 {offsets = [1], sizes = [1], strides = [1]} : vector<16xi32> to vector<1xi32>
      %squeeze3A_63 = vector.extract %slice3A_62[0] : i32 from vector<1xi32>
      %mul3A_64 = arith.constant 16 : i32
      %mul3A_65 = arith.muli %scan3A_41, %mul3A_64 : i32
      %add3A_66 = arith.constant 1 : i32
      %add3A_67 = arith.addi %mul3A_65, %add3A_66 : i32
      %dma_start3A_68 = arith.constant 0 : i32
      %dma_start3A_69 = tpu.memref_slice %arg11[%add3A_67, %dma_start3A_68] : memref<512x64xf32, #tpu.memory_space<vmem>> -> memref<1x64xf32, #tpu.memory_space<vmem>>
      %dma_start3A_70 = arith.constant 0 : i32
      %dma_start3A_71 = tpu.memref_slice %arg5[%squeeze3A_63, %dma_start3A_70] : memref<1000001x64xf32, #tpu.memory_space<hbm>> -> memref<1x64xf32, #tpu.memory_space<hbm>>
      %dma_start3A_72 = arith.constant 0 : i32
      %dma_start3A_73 = tpu.memref_slice %arg11[%add3A_67, %dma_start3A_72] : memref<512x64xf32, #tpu.memory_space<vmem>> -> memref<1x64xf32, #tpu.memory_space<vmem>>
      %dma_start3A_74 = arith.constant 0 : i32
      %dma_start3A_75 = tpu.memref_slice %arg5[%squeeze3A_63, %dma_start3A_74] : memref<1000001x64xf32, #tpu.memory_space<hbm>> -> memref<1x64xf32, #tpu.memory_space<hbm>>
      tpu.enqueue_dma source(%dma_start3A_75 : memref<1x64xf32, #tpu.memory_space<hbm>>) target(%dma_start3A_73 : memref<1x64xf32, #tpu.memory_space<vmem>>) target_semaphore(%arg12 : memref<!tpu.dma_semaphore, #tpu.memory_space<semaphore_mem>>)
      %slice3A_76 = vector.extract_strided_slice %get3A_50 {offsets = [2], sizes = [1], strides = [1]} : vector<16xi32> to vector<1xi32>
      %squeeze3A_77 = vector.extract %slice3A_76[0] : i32 from vector<1xi32>
      %mul3A_78 = arith.constant 16 : i32
      %mul3A_79 = arith.muli %scan3A_41, %mul3A_78 : i32
      %add3A_80 = arith.constant 2 : i32
      %add3A_81 = arith.addi %mul3A_79, %add3A_80 : i32
      %dma_start3A_82 = arith.constant 0 : i32
      %dma_start3A_83 = tpu.memref_slice %arg11[%add3A_81, %dma_start3A_82] : memref<512x64xf32, #tpu.memory_space<vmem>> -> memref<1x64xf32, #tpu.memory_space<vmem>>
      %dma_start3A_84 = arith.constant 0 : i32
      %dma_start3A_85 = tpu.memref_slice %arg5[%squeeze3A_77, %dma_start3A_84] : memref<1000001x64xf32, #tpu.memory_space<hbm>> -> memref<1x64xf32, #tpu.memory_space<hbm>>
      %dma_start3A_86 = arith.constant 0 : i32
      %dma_start3A_87 = tpu.memref_slice %arg11[%add3A_81, %dma_start3A_86] : memref<512x64xf32, #tpu.memory_space<vmem>> -> memref<1x64xf32, #tpu.memory_space<vmem>>
      %dma_start3A_88 = arith.constant 0 : i32
      %dma_start3A_89 = tpu.memref_slice %arg5[%squeeze3A_77, %dma_start3A_88] : memref<1000001x64xf32, #tpu.memory_space<hbm>> -> memref<1x64xf32, #tpu.memory_space<hbm>>
      tpu.enqueue_dma source(%dma_start3A_89 : memref<1x64xf32, #tpu.memory_space<hbm>>) target(%dma_start3A_87 : memref<1x64xf32, #tpu.memory_space<vmem>>) target_semaphore(%arg12 : memref<!tpu.dma_semaphore, #tpu.memory_space<semaphore_mem>>)
      %slice3A_90 = vector.extract_strided_slice %get3A_50 {offsets = [3], sizes = [1], strides = [1]} : vector<16xi32> to vector<1xi32>
      %squeeze3A_91 = vector.extract %slice3A_90[0] : i32 from vector<1xi32>
      %mul3A_92 = arith.constant 16 : i32
      %mul3A_93 = arith.muli %scan3A_41, %mul3A_92 : i32
      %add3A_94 = arith.constant 3 : i32
      %add3A_95 = arith.addi %mul3A_93, %add3A_94 : i32
      %dma_start3A_96 = arith.constant 0 : i32
      %dma_start3A_97 = tpu.memref_slice %arg11[%add3A_95, %dma_start3A_96] : memref<512x64xf32, #tpu.memory_space<vmem>> -> memref<1x64xf32, #tpu.memory_space<vmem>>
      %dma_start3A_98 = arith.constant 0 : i32
      %dma_start3A_99 = tpu.memref_slice %arg5[%squeeze3A_91, %dma_start3A_98] : memref<1000001x64xf32, #tpu.memory_space<hbm>> -> memref<1x64xf32, #tpu.memory_space<hbm>>
      %dma_start3A_100 = arith.constant 0 : i32
      %dma_start3A_101 = tpu.memref_slice %arg11[%add3A_95, %dma_start3A_100] : memref<512x64xf32, #tpu.memory_space<vmem>> -> memref<1x64xf32, #tpu.memory_space<vmem>>
      %dma_start3A_102 = arith.constant 0 : i32
      %dma_start3A_103 = tpu.memref_slice %arg5[%squeeze3A_91, %dma_start3A_102] : memref<1000001x64xf32, #tpu.memory_space<hbm>> -> memref<1x64xf32, #tpu.memory_space<hbm>>
      tpu.enqueue_dma source(%dma_start3A_103 : memref<1x64xf32, #tpu.memory_space<hbm>>) target(%dma_start3A_101 : memref<1x64xf32, #tpu.memory_space<vmem>>) target_semaphore(%arg12 : memref<!tpu.dma_semaphore, #tpu.memory_space<semaphore_mem>>)
      %slice3A_104 = vector.extract_strided_slice %get3A_50 {offsets = [4], sizes = [1], strides = [1]} : vector<16xi32> to vector<1xi32>
      %squeeze3A_105 = vector.extract %slice3A_104[0] : i32 from vector<1xi32>
      %mul3A_106 = arith.constant 16 : i32
      %mul3A_107 = arith.muli %scan3A_41, %mul3A_106 : i32
      %add3A_108 = arith.constant 4 : i32
      %add3A_109 = arith.addi %mul3A_107, %add3A_108 : i32
      %dma_start3A_110 = arith.constant 0 : i32
      %dma_start3A_111 = tpu.memref_slice %arg11[%add3A_109, %dma_start3A_110] : memref<512x64xf32, #tpu.memory_space<vmem>> -> memref<1x64xf32, #tpu.memory_space<vmem>>
      %dma_start3A_112 = arith.constant 0 : i32
      %dma_start3A_113 = tpu.memref_slice %arg5[%squeeze3A_105, %dma_start3A_112] : memref<1000001x64xf32, #tpu.memory_space<hbm>> -> memref<1x64xf32, #tpu.memory_space<hbm>>
      %dma_start3A_114 = arith.constant 0 : i32
      %dma_start3A_115 = tpu.memref_slice %arg11[%add3A_109, %dma_start3A_114] : memref<512x64xf32, #tpu.memory_space<vmem>> -> memref<1x64xf32, #tpu.memory_space<vmem>>
      %dma_start3A_116 = arith.constant 0 : i32
      %dma_start3A_117 = tpu.memref_slice %arg5[%squeeze3A_105, %dma_start3A_116] : memref<1000001x64xf32, #tpu.memory_space<hbm>> -> memref<1x64xf32, #tpu.memory_space<hbm>>
      tpu.enqueue_dma source(%dma_start3A_117 : memref<1x64xf32, #tpu.memory_space<hbm>>) target(%dma_start3A_115 : memref<1x64xf32, #tpu.memory_space<vmem>>) target_semaphore(%arg12 : memref<!tpu.dma_semaphore, #tpu.memory_space<semaphore_mem>>)
      %slice3A_118 = vector.extract_strided_slice %get3A_50 {offsets = [5], sizes = [1], strides = [1]} : vector<16xi32> to vector<1xi32>
      %squeeze3A_119 = vector.extract %slice3A_118[0] : i32 from vector<1xi32>
      %mul3A_120 = arith.constant 16 : i32
      %mul3A_121 = arith.muli %scan3A_41, %mul3A_120 : i32
      %add3A_122 = arith.constant 5 : i32
      %add3A_123 = arith.addi %mul3A_121, %add3A_122 : i32
      %dma_start3A_124 = arith.constant 0 : i32
      %dma_start3A_125 = tpu.memref_slice %arg11[%add3A_123, %dma_start3A_124] : memref<512x64xf32, #tpu.memory_space<vmem>> -> memref<1x64xf32, #tpu.memory_space<vmem>>
      %dma_start3A_126 = arith.constant 0 : i32
      %dma_start3A_127 = tpu.memref_slice %arg5[%squeeze3A_119, %dma_start3A_126] : memref<1000001x64xf32, #tpu.memory_space<hbm>> -> memref<1x64xf32, #tpu.memory_space<hbm>>
      %dma_start3A_128 = arith.constant 0 : i32
      %dma_start3A_129 = tpu.memref_slice %arg11[%add3A_123, %dma_start3A_128] : memref<512x64xf32, #tpu.memory_space<vmem>> -> memref<1x64xf32, #tpu.memory_space<vmem>>
      %dma_start3A_130 = arith.constant 0 : i32
      %dma_start3A_131 = tpu.memref_slice %arg5[%squeeze3A_119, %dma_start3A_130] : memref<1000001x64xf32, #tpu.memory_space<hbm>> -> memref<1x64xf32, #tpu.memory_space<hbm>>
      tpu.enqueue_dma source(%dma_start3A_131 : memref<1x64xf32, #tpu.memory_space<hbm>>) target(%dma_start3A_129 : memref<1x64xf32, #tpu.memory_space<vmem>>) target_semaphore(%arg12 : memref<!tpu.dma_semaphore, #tpu.memory_space<semaphore_mem>>)
      %slice3A_132 = vector.extract_strided_slice %get3A_50 {offsets = [6], sizes = [1], strides = [1]} : vector<16xi32> to vector<1xi32>
      %squeeze3A_133 = vector.extract %slice3A_132[0] : i32 from vector<1xi32>
      %mul3A_134 = arith.constant 16 : i32
      %mul3A_135 = arith.muli %scan3A_41, %mul3A_134 : i32
      %add3A_136 = arith.constant 6 : i32
      %add3A_137 = arith.addi %mul3A_135, %add3A_136 : i32
      %dma_start3A_138 = arith.constant 0 : i32
      %dma_start3A_139 = tpu.memref_slice %arg11[%add3A_137, %dma_start3A_138] : memref<512x64xf32, #tpu.memory_space<vmem>> -> memref<1x64xf32, #tpu.memory_space<vmem>>
      %dma_start3A_140 = arith.constant 0 : i32
      %dma_start3A_141 = tpu.memref_slice %arg5[%squeeze3A_133, %dma_start3A_140] : memref<1000001x64xf32, #tpu.memory_space<hbm>> -> memref<1x64xf32, #tpu.memory_space<hbm>>
      %dma_start3A_142 = arith.constant 0 : i32
      %dma_start3A_143 = tpu.memref_slice %arg11[%add3A_137, %dma_start3A_142] : memref<512x64xf32, #tpu.memory_space<vmem>> -> memref<1x64xf32, #tpu.memory_space<vmem>>
      %dma_start3A_144 = arith.constant 0 : i32
      %dma_start3A_145 = tpu.memref_slice %arg5[%squeeze3A_133, %dma_start3A_144] : memref<1000001x64xf32, #tpu.memory_space<hbm>> -> memref<1x64xf32, #tpu.memory_space<hbm>>
      tpu.enqueue_dma source(%dma_start3A_145 : memref<1x64xf32, #tpu.memory_space<hbm>>) target(%dma_start3A_143 : memref<1x64xf32, #tpu.memory_space<vmem>>) target_semaphore(%arg12 : memref<!tpu.dma_semaphore, #tpu.memory_space<semaphore_mem>>)
      %slice3A_146 = vector.extract_strided_slice %get3A_50 {offsets = [7], sizes = [1], strides = [1]} : vector<16xi32> to vector<1xi32>
      %squeeze3A_147 = vector.extract %slice3A_146[0] : i32 from vector<1xi32>
      %mul3A_148 = arith.constant 16 : i32
      %mul3A_149 = arith.muli %scan3A_41, %mul3A_148 : i32
      %add3A_150 = arith.constant 7 : i32
      %add3A_151 = arith.addi %mul3A_149, %add3A_150 : i32
      %dma_start3A_152 = arith.constant 0 : i32
      %dma_start3A_153 = tpu.memref_slice %arg11[%add3A_151, %dma_start3A_152] : memref<512x64xf32, #tpu.memory_space<vmem>> -> memref<1x64xf32, #tpu.memory_space<vmem>>
      %dma_start3A_154 = arith.constant 0 : i32
      %dma_start3A_155 = tpu.memref_slice %arg5[%squeeze3A_147, %dma_start3A_154] : memref<1000001x64xf32, #tpu.memory_space<hbm>> -> memref<1x64xf32, #tpu.memory_space<hbm>>
      %dma_start3A_156 = arith.constant 0 : i32
      %dma_start3A_157 = tpu.memref_slice %arg11[%add3A_151, %dma_start3A_156] : memref<512x64xf32, #tpu.memory_space<vmem>> -> memref<1x64xf32, #tpu.memory_space<vmem>>
      %dma_start3A_158 = arith.constant 0 : i32
      %dma_start3A_159 = tpu.memref_slice %arg5[%squeeze3A_147, %dma_start3A_158] : memref<1000001x64xf32, #tpu.memory_space<hbm>> -> memref<1x64xf32, #tpu.memory_space<hbm>>
      tpu.enqueue_dma source(%dma_start3A_159 : memref<1x64xf32, #tpu.memory_space<hbm>>) target(%dma_start3A_157 : memref<1x64xf32, #tpu.memory_space<vmem>>) target_semaphore(%arg12 : memref<!tpu.dma_semaphore, #tpu.memory_space<semaphore_mem>>)
      %slice3A_160 = vector.extract_strided_slice %get3A_50 {offsets = [8], sizes = [1], strides = [1]} : vector<16xi32> to vector<1xi32>
      %squeeze3A_161 = vector.extract %slice3A_160[0] : i32 from vector<1xi32>
      %mul3A_162 = arith.constant 16 : i32
      %mul3A_163 = arith.muli %scan3A_41, %mul3A_162 : i32
      %add3A_164 = arith.constant 8 : i32
      %add3A_165 = arith.addi %mul3A_163, %add3A_164 : i32
      %dma_start3A_166 = arith.constant 0 : i32
      %dma_start3A_167 = tpu.memref_slice %arg11[%add3A_165, %dma_start3A_166] : memref<512x64xf32, #tpu.memory_space<vmem>> -> memref<1x64xf32, #tpu.memory_space<vmem>>
      %dma_start3A_168 = arith.constant 0 : i32
      %dma_start3A_169 = tpu.memref_slice %arg5[%squeeze3A_161, %dma_start3A_168] : memref<1000001x64xf32, #tpu.memory_space<hbm>> -> memref<1x64xf32, #tpu.memory_space<hbm>>
      %dma_start3A_170 = arith.constant 0 : i32
      %dma_start3A_171 = tpu.memref_slice %arg11[%add3A_165, %dma_start3A_170] : memref<512x64xf32, #tpu.memory_space<vmem>> -> memref<1x64xf32, #tpu.memory_space<vmem>>
      %dma_start3A_172 = arith.constant 0 : i32
      %dma_start3A_173 = tpu.memref_slice %arg5[%squeeze3A_161, %dma_start3A_172] : memref<1000001x64xf32, #tpu.memory_space<hbm>> -> memref<1x64xf32, #tpu.memory_space<hbm>>
      tpu.enqueue_dma source(%dma_start3A_173 : memref<1x64xf32, #tpu.memory_space<hbm>>) target(%dma_start3A_171 : memref<1x64xf32, #tpu.memory_space<vmem>>) target_semaphore(%arg12 : memref<!tpu.dma_semaphore, #tpu.memory_space<semaphore_mem>>)
      %slice3A_174 = vector.extract_strided_slice %get3A_50 {offsets = [9], sizes = [1], strides = [1]} : vector<16xi32> to vector<1xi32>
      %squeeze3A_175 = vector.extract %slice3A_174[0] : i32 from vector<1xi32>
      %mul3A_176 = arith.constant 16 : i32
      %mul3A_177 = arith.muli %scan3A_41, %mul3A_176 : i32
      %add3A_178 = arith.constant 9 : i32
      %add3A_179 = arith.addi %mul3A_177, %add3A_178 : i32
      %dma_start3A_180 = arith.constant 0 : i32
      %dma_start3A_181 = tpu.memref_slice %arg11[%add3A_179, %dma_start3A_180] : memref<512x64xf32, #tpu.memory_space<vmem>> -> memref<1x64xf32, #tpu.memory_space<vmem>>
      %dma_start3A_182 = arith.constant 0 : i32
      %dma_start3A_183 = tpu.memref_slice %arg5[%squeeze3A_175, %dma_start3A_182] : memref<1000001x64xf32, #tpu.memory_space<hbm>> -> memref<1x64xf32, #tpu.memory_space<hbm>>
      %dma_start3A_184 = arith.constant 0 : i32
      %dma_start3A_185 = tpu.memref_slice %arg11[%add3A_179, %dma_start3A_184] : memref<512x64xf32, #tpu.memory_space<vmem>> -> memref<1x64xf32, #tpu.memory_space<vmem>>
      %dma_start3A_186 = arith.constant 0 : i32
      %dma_start3A_187 = tpu.memref_slice %arg5[%squeeze3A_175, %dma_start3A_186] : memref<1000001x64xf32, #tpu.memory_space<hbm>> -> memref<1x64xf32, #tpu.memory_space<hbm>>
      tpu.enqueue_dma source(%dma_start3A_187 : memref<1x64xf32, #tpu.memory_space<hbm>>) target(%dma_start3A_185 : memref<1x64xf32, #tpu.memory_space<vmem>>) target_semaphore(%arg12 : memref<!tpu.dma_semaphore, #tpu.memory_space<semaphore_mem>>)
      %slice3A_188 = vector.extract_strided_slice %get3A_50 {offsets = [10], sizes = [1], strides = [1]} : vector<16xi32> to vector<1xi32>
      %squeeze3A_189 = vector.extract %slice3A_188[0] : i32 from vector<1xi32>
      %mul3A_190 = arith.constant 16 : i32
      %mul3A_191 = arith.muli %scan3A_41, %mul3A_190 : i32
      %add3A_192 = arith.constant 10 : i32
      %add3A_193 = arith.addi %mul3A_191, %add3A_192 : i32
      %dma_start3A_194 = arith.constant 0 : i32
      %dma_start3A_195 = tpu.memref_slice %arg11[%add3A_193, %dma_start3A_194] : memref<512x64xf32, #tpu.memory_space<vmem>> -> memref<1x64xf32, #tpu.memory_space<vmem>>
      %dma_start3A_196 = arith.constant 0 : i32
      %dma_start3A_197 = tpu.memref_slice %arg5[%squeeze3A_189, %dma_start3A_196] : memref<1000001x64xf32, #tpu.memory_space<hbm>> -> memref<1x64xf32, #tpu.memory_space<hbm>>
      %dma_start3A_198 = arith.constant 0 : i32
      %dma_start3A_199 = tpu.memref_slice %arg11[%add3A_193, %dma_start3A_198] : memref<512x64xf32, #tpu.memory_space<vmem>> -> memref<1x64xf32, #tpu.memory_space<vmem>>
      %dma_start3A_200 = arith.constant 0 : i32
      %dma_start3A_201 = tpu.memref_slice %arg5[%squeeze3A_189, %dma_start3A_200] : memref<1000001x64xf32, #tpu.memory_space<hbm>> -> memref<1x64xf32, #tpu.memory_space<hbm>>
      tpu.enqueue_dma source(%dma_start3A_201 : memref<1x64xf32, #tpu.memory_space<hbm>>) target(%dma_start3A_199 : memref<1x64xf32, #tpu.memory_space<vmem>>) target_semaphore(%arg12 : memref<!tpu.dma_semaphore, #tpu.memory_space<semaphore_mem>>)
      %slice3A_202 = vector.extract_strided_slice %get3A_50 {offsets = [11], sizes = [1], strides = [1]} : vector<16xi32> to vector<1xi32>
      %squeeze3A_203 = vector.extract %slice3A_202[0] : i32 from vector<1xi32>
      %mul3A_204 = arith.constant 16 : i32
      %mul3A_205 = arith.muli %scan3A_41, %mul3A_204 : i32
      %add3A_206 = arith.constant 11 : i32
      %add3A_207 = arith.addi %mul3A_205, %add3A_206 : i32
      %dma_start3A_208 = arith.constant 0 : i32
      %dma_start3A_209 = tpu.memref_slice %arg11[%add3A_207, %dma_start3A_208] : memref<512x64xf32, #tpu.memory_space<vmem>> -> memref<1x64xf32, #tpu.memory_space<vmem>>
      %dma_start3A_210 = arith.constant 0 : i32
      %dma_start3A_211 = tpu.memref_slice %arg5[%squeeze3A_203, %dma_start3A_210] : memref<1000001x64xf32, #tpu.memory_space<hbm>> -> memref<1x64xf32, #tpu.memory_space<hbm>>
      %dma_start3A_212 = arith.constant 0 : i32
      %dma_start3A_213 = tpu.memref_slice %arg11[%add3A_207, %dma_start3A_212] : memref<512x64xf32, #tpu.memory_space<vmem>> -> memref<1x64xf32, #tpu.memory_space<vmem>>
      %dma_start3A_214 = arith.constant 0 : i32
      %dma_start3A_215 = tpu.memref_slice %arg5[%squeeze3A_203, %dma_start3A_214] : memref<1000001x64xf32, #tpu.memory_space<hbm>> -> memref<1x64xf32, #tpu.memory_space<hbm>>
      tpu.enqueue_dma source(%dma_start3A_215 : memref<1x64xf32, #tpu.memory_space<hbm>>) target(%dma_start3A_213 : memref<1x64xf32, #tpu.memory_space<vmem>>) target_semaphore(%arg12 : memref<!tpu.dma_semaphore, #tpu.memory_space<semaphore_mem>>)
      %slice3A_216 = vector.extract_strided_slice %get3A_50 {offsets = [12], sizes = [1], strides = [1]} : vector<16xi32> to vector<1xi32>
      %squeeze3A_217 = vector.extract %slice3A_216[0] : i32 from vector<1xi32>
      %mul3A_218 = arith.constant 16 : i32
      %mul3A_219 = arith.muli %scan3A_41, %mul3A_218 : i32
      %add3A_220 = arith.constant 12 : i32
      %add3A_221 = arith.addi %mul3A_219, %add3A_220 : i32
      %dma_start3A_222 = arith.constant 0 : i32
      %dma_start3A_223 = tpu.memref_slice %arg11[%add3A_221, %dma_start3A_222] : memref<512x64xf32, #tpu.memory_space<vmem>> -> memref<1x64xf32, #tpu.memory_space<vmem>>
      %dma_start3A_224 = arith.constant 0 : i32
      %dma_start3A_225 = tpu.memref_slice %arg5[%squeeze3A_217, %dma_start3A_224] : memref<1000001x64xf32, #tpu.memory_space<hbm>> -> memref<1x64xf32, #tpu.memory_space<hbm>>
      %dma_start3A_226 = arith.constant 0 : i32
      %dma_start3A_227 = tpu.memref_slice %arg11[%add3A_221, %dma_start3A_226] : memref<512x64xf32, #tpu.memory_space<vmem>> -> memref<1x64xf32, #tpu.memory_space<vmem>>
      %dma_start3A_228 = arith.constant 0 : i32
      %dma_start3A_229 = tpu.memref_slice %arg5[%squeeze3A_217, %dma_start3A_228] : memref<1000001x64xf32, #tpu.memory_space<hbm>> -> memref<1x64xf32, #tpu.memory_space<hbm>>
      tpu.enqueue_dma source(%dma_start3A_229 : memref<1x64xf32, #tpu.memory_space<hbm>>) target(%dma_start3A_227 : memref<1x64xf32, #tpu.memory_space<vmem>>) target_semaphore(%arg12 : memref<!tpu.dma_semaphore, #tpu.memory_space<semaphore_mem>>)
      %slice3A_230 = vector.extract_strided_slice %get3A_50 {offsets = [13], sizes = [1], strides = [1]} : vector<16xi32> to vector<1xi32>
      %squeeze3A_231 = vector.extract %slice3A_230[0] : i32 from vector<1xi32>
      %mul3A_232 = arith.constant 16 : i32
      %mul3A_233 = arith.muli %scan3A_41, %mul3A_232 : i32
      %add3A_234 = arith.constant 13 : i32
      %add3A_235 = arith.addi %mul3A_233, %add3A_234 : i32
      %dma_start3A_236 = arith.constant 0 : i32
      %dma_start3A_237 = tpu.memref_slice %arg11[%add3A_235, %dma_start3A_236] : memref<512x64xf32, #tpu.memory_space<vmem>> -> memref<1x64xf32, #tpu.memory_space<vmem>>
      %dma_start3A_238 = arith.constant 0 : i32
      %dma_start3A_239 = tpu.memref_slice %arg5[%squeeze3A_231, %dma_start3A_238] : memref<1000001x64xf32, #tpu.memory_space<hbm>> -> memref<1x64xf32, #tpu.memory_space<hbm>>
      %dma_start3A_240 = arith.constant 0 : i32
      %dma_start3A_241 = tpu.memref_slice %arg11[%add3A_235, %dma_start3A_240] : memref<512x64xf32, #tpu.memory_space<vmem>> -> memref<1x64xf32, #tpu.memory_space<vmem>>
      %dma_start3A_242 = arith.constant 0 : i32
      %dma_start3A_243 = tpu.memref_slice %arg5[%squeeze3A_231, %dma_start3A_242] : memref<1000001x64xf32, #tpu.memory_space<hbm>> -> memref<1x64xf32, #tpu.memory_space<hbm>>
      tpu.enqueue_dma source(%dma_start3A_243 : memref<1x64xf32, #tpu.memory_space<hbm>>) target(%dma_start3A_241 : memref<1x64xf32, #tpu.memory_space<vmem>>) target_semaphore(%arg12 : memref<!tpu.dma_semaphore, #tpu.memory_space<semaphore_mem>>)
      %slice3A_244 = vector.extract_strided_slice %get3A_50 {offsets = [14], sizes = [1], strides = [1]} : vector<16xi32> to vector<1xi32>
      %squeeze3A_245 = vector.extract %slice3A_244[0] : i32 from vector<1xi32>
      %mul3A_246 = arith.constant 16 : i32
      %mul3A_247 = arith.muli %scan3A_41, %mul3A_246 : i32
      %add3A_248 = arith.constant 14 : i32
      %add3A_249 = arith.addi %mul3A_247, %add3A_248 : i32
      %dma_start3A_250 = arith.constant 0 : i32
      %dma_start3A_251 = tpu.memref_slice %arg11[%add3A_249, %dma_start3A_250] : memref<512x64xf32, #tpu.memory_space<vmem>> -> memref<1x64xf32, #tpu.memory_space<vmem>>
      %dma_start3A_252 = arith.constant 0 : i32
      %dma_start3A_253 = tpu.memref_slice %arg5[%squeeze3A_245, %dma_start3A_252] : memref<1000001x64xf32, #tpu.memory_space<hbm>> -> memref<1x64xf32, #tpu.memory_space<hbm>>
      %dma_start3A_254 = arith.constant 0 : i32
      %dma_start3A_255 = tpu.memref_slice %arg11[%add3A_249, %dma_start3A_254] : memref<512x64xf32, #tpu.memory_space<vmem>> -> memref<1x64xf32, #tpu.memory_space<vmem>>
      %dma_start3A_256 = arith.constant 0 : i32
      %dma_start3A_257 = tpu.memref_slice %arg5[%squeeze3A_245, %dma_start3A_256] : memref<1000001x64xf32, #tpu.memory_space<hbm>> -> memref<1x64xf32, #tpu.memory_space<hbm>>
      tpu.enqueue_dma source(%dma_start3A_257 : memref<1x64xf32, #tpu.memory_space<hbm>>) target(%dma_start3A_255 : memref<1x64xf32, #tpu.memory_space<vmem>>) target_semaphore(%arg12 : memref<!tpu.dma_semaphore, #tpu.memory_space<semaphore_mem>>)
      %slice3A_258 = vector.extract_strided_slice %get3A_50 {offsets = [15], sizes = [1], strides = [1]} : vector<16xi32> to vector<1xi32>
      %squeeze3A_259 = vector.extract %slice3A_258[0] : i32 from vector<1xi32>
      %mul3A_260 = arith.constant 16 : i32
      %mul3A_261 = arith.muli %scan3A_41, %mul3A_260 : i32
      %add3A_262 = arith.constant 15 : i32
      %add3A_263 = arith.addi %mul3A_261, %add3A_262 : i32
      %dma_start3A_264 = arith.constant 0 : i32
      %dma_start3A_265 = tpu.memref_slice %arg11[%add3A_263, %dma_start3A_264] : memref<512x64xf32, #tpu.memory_space<vmem>> -> memref<1x64xf32, #tpu.memory_space<vmem>>
      %dma_start3A_266 = arith.constant 0 : i32
      %dma_start3A_267 = tpu.memref_slice %arg5[%squeeze3A_259, %dma_start3A_266] : memref<1000001x64xf32, #tpu.memory_space<hbm>> -> memref<1x64xf32, #tpu.memory_space<hbm>>
      %dma_start3A_268 = arith.constant 0 : i32
      %dma_start3A_269 = tpu.memref_slice %arg11[%add3A_263, %dma_start3A_268] : memref<512x64xf32, #tpu.memory_space<vmem>> -> memref<1x64xf32, #tpu.memory_space<vmem>>
      %dma_start3A_270 = arith.constant 0 : i32
      %dma_start3A_271 = tpu.memref_slice %arg5[%squeeze3A_259, %dma_start3A_270] : memref<1000001x64xf32, #tpu.memory_space<hbm>> -> memref<1x64xf32, #tpu.memory_space<hbm>>
      tpu.enqueue_dma source(%dma_start3A_271 : memref<1x64xf32, #tpu.memory_space<hbm>>) target(%dma_start3A_269 : memref<1x64xf32, #tpu.memory_space<vmem>>) target_semaphore(%arg12 : memref<!tpu.dma_semaphore, #tpu.memory_space<semaphore_mem>>)
    }
    %scan3A_34 = arith.constant 32 : i32
    %dma_wait3A_35 = arith.constant 0 : i32
    %dma_wait3A_36 = arith.constant 0 : i32
    %dma_wait3A_37 = tpu.memref_slice %arg5[%dma_wait3A_35, %dma_wait3A_36] : memref<1000001x64xf32, #tpu.memory_space<hbm>> -> memref<512x64xf32, #tpu.memory_space<hbm>>
    %dma_wait3A_38 = arith.constant 0 : i32
    %dma_wait3A_39 = arith.constant 0 : i32
    %dma_wait3A_40 = tpu.memref_slice %arg5[%dma_wait3A_38, %dma_wait3A_39] : memref<1000001x64xf32, #tpu.memory_space<hbm>> -> memref<512x64xf32, #tpu.memory_space<hbm>>
    tpu.wait_dma2 semaphore(%arg12 : memref<!tpu.dma_semaphore, #tpu.memory_space<semaphore_mem>>) src(%dma_wait3A_40 : memref<512x64xf32, #tpu.memory_space<hbm>>) dst(%arg11 : memref<512x64xf32, #tpu.memory_space<vmem>>)
    "tpu.region"() ({
      %run_scoped3A_41 = tpu.sem_alloc : memref<!tpu.dma_semaphore, #tpu.memory_space<semaphore_mem>>
      %dma_start3A = arith.constant 0 : i32
      %dma_start3A_42 = tpu.memref_slice %arg9[%mul3A_2, %dma_start3A] : memref<16384x64xf32, #tpu.memory_space<hbm>> -> memref<512x64xf32, #tpu.memory_space<hbm>>
      %dma_start3A_43 = arith.constant 0 : i32
      %dma_start3A_44 = tpu.memref_slice %arg9[%mul3A_2, %dma_start3A_43] : memref<16384x64xf32, #tpu.memory_space<hbm>> -> memref<512x64xf32, #tpu.memory_space<hbm>>
      tpu.enqueue_dma source(%arg11 : memref<512x64xf32, #tpu.memory_space<vmem>>) target(%dma_start3A_44 : memref<512x64xf32, #tpu.memory_space<hbm>>) target_semaphore(%run_scoped3A_41 : memref<!tpu.dma_semaphore, #tpu.memory_space<semaphore_mem>>)
      %dma_wait3A_45 = arith.constant 0 : i32
      %dma_wait3A_46 = tpu.memref_slice %arg9[%mul3A_2, %dma_wait3A_45] : memref<16384x64xf32, #tpu.memory_space<hbm>> -> memref<512x64xf32, #tpu.memory_space<hbm>>
      %dma_wait3A_47 = arith.constant 0 : i32
      %dma_wait3A_48 = tpu.memref_slice %arg9[%mul3A_2, %dma_wait3A_47] : memref<16384x64xf32, #tpu.memory_space<hbm>> -> memref<512x64xf32, #tpu.memory_space<hbm>>
      tpu.wait_dma2 semaphore(%run_scoped3A_41 : memref<!tpu.dma_semaphore, #tpu.memory_space<semaphore_mem>>) src(%arg11 : memref<512x64xf32, #tpu.memory_space<vmem>>) dst(%dma_wait3A_48 : memref<512x64xf32, #tpu.memory_space<hbm>>)
      tpu.yield
    }) : () -> ()
    return
  }
}

module attributes {stable_mosaic.version = 14 : i64} {
  func.func @_vq_body(%arg0: i32, %arg1: memref<512x64xf32, #tpu.memory_space<vmem>>, %arg2: memref<64x1024xf32, #tpu.memory_space<vmem>>, %arg3: memref<1024x64xf32, #tpu.memory_space<vmem>>, %arg4: memref<1x1024xf32, #tpu.memory_space<vmem>>, %arg5: memref<512x64xf32, #tpu.memory_space<vmem>>, %arg6: memref<1x1xf32, #tpu.memory_space<smem>>) attributes {dimension_semantics = [#tpu.dimension_semantics<arbitrary>], iteration_bounds = array<i64: 32>, scalar_prefetch = 0 : i64, scratch_operands = 0 : i64, tpu.core_type = #tpu.core_type<tc>, window_params = [{transform_indices = @transform_0, window_bounds = array<i64: 512, 64>}, {pipeline_mode = #tpu.pipeline_mode<synchronous>, transform_indices = @transform_1, window_bounds = array<i64: 64, 1024>}, {pipeline_mode = #tpu.pipeline_mode<synchronous>, transform_indices = @transform_2, window_bounds = array<i64: 1024, 64>}, {pipeline_mode = #tpu.pipeline_mode<synchronous>, transform_indices = @transform_3, window_bounds = array<i64: 1, 1024>}, {transform_indices = @transform_4, window_bounds = array<i64: 512, 64>}, {transform_indices = @transform_5, window_bounds = array<i64: 1, 1>}]} {
    %get3A = arith.constant 0 : index
    %get3A_0 = arith.constant 0 : index
    %get3A_1 = vector.load %arg1[%get3A, %get3A_0] : memref<512x64xf32, #tpu.memory_space<vmem>>, vector<512x64xf32>
    %mul3A = arith.constant 2.000000e+00 : f32
    %mul3A_2 = vector.broadcast %mul3A : f32 to vector<512x64xf32>
    %mul3A_3 = arith.mulf %mul3A_2, %get3A_1 : vector<512x64xf32>
    %get3A_4 = arith.constant 0 : index
    %get3A_5 = arith.constant 0 : index
    %get3A_6 = vector.load %arg2[%get3A_4, %get3A_5] : memref<64x1024xf32, #tpu.memory_space<vmem>>, vector<64x1024xf32>
    %dot_general3A = arith.constant dense<0.000000e+00> : vector<512x1024xf32>
    %dot_general3A_7 = tpu.matmul %mul3A_3, %get3A_6, %dot_general3A {dimension_numbers = #tpu.dot_dimension_numbers<[1], [0], [0], [1], [0, 0, 1, 1], [], []>, transpose_lhs_hint = false} : vector<512x64xf32>, vector<64x1024xf32>, vector<512x1024xf32> -> vector<512x1024xf32>
    %mul3A_8 = arith.mulf %get3A_1, %get3A_1 : vector<512x64xf32>
    %reduce_sum3A = arith.constant dense<0.000000e+00> : vector<512xf32>
    %reduce_sum3A_9 = vector.multi_reduction <add>, %mul3A_8, %reduce_sum3A [1] : vector<512x64xf32> to vector<512xf32>
    %broadcast_in_dim3A = vector.shape_cast %reduce_sum3A_9 : vector<512xf32> to vector<512x1xf32>
    %sub3A = vector.broadcast %broadcast_in_dim3A : vector<512x1xf32> to vector<512x1024xf32>
    %sub3A_10 = arith.subf %sub3A, %dot_general3A_7 : vector<512x1024xf32>
    %get3A_11 = arith.constant 0 : index
    %get3A_12 = arith.constant 0 : index
    %get3A_13 = vector.load %arg4[%get3A_11, %get3A_12] : memref<1x1024xf32, #tpu.memory_space<vmem>>, vector<1x1024xf32>
    %add3A = vector.broadcast %get3A_13 : vector<1x1024xf32> to vector<512x1024xf32>
    %add3A_14 = arith.addf %sub3A_10, %add3A : vector<512x1024xf32>
    %reduce_min3A = arith.constant dense<0x7F800000> : vector<512xf32>
    %reduce_min3A_15 = vector.multi_reduction <minimumf>, %add3A_14, %reduce_min3A [1] : vector<512x1024xf32> to vector<512xf32>
    %broadcast_in_dim3A_16 = vector.shape_cast %reduce_min3A_15 : vector<512xf32> to vector<512x1xf32>
    %iota3A = tpu.iota {dimensions = array<i32: 1>} : vector<512x1024xi32>
    %eq3A = vector.broadcast %broadcast_in_dim3A_16 : vector<512x1xf32> to vector<512x1024xf32>
    %eq3A_17 = arith.cmpf oeq, %add3A_14, %eq3A : vector<512x1024xf32>
    %jit3A = arith.constant 1024 : i32
    %broadcast_in_dim3A_18 = vector.broadcast %jit3A : i32 to vector<512x1024xi32>
    %select_n3A = arith.select %eq3A_17, %iota3A, %broadcast_in_dim3A_18 : vector<512x1024xi1>, vector<512x1024xi32>
    %reduce_min3A_19 = arith.constant dense<2147483647> : vector<512xi32>
    %reduce_min3A_20 = vector.multi_reduction <minsi>, %select_n3A, %reduce_min3A_19 [1] : vector<512x1024xi32> to vector<512xi32>
    %broadcast_in_dim3A_21 = vector.shape_cast %reduce_min3A_20 : vector<512xi32> to vector<512x1xi32>
    %eq3A_22 = vector.broadcast %broadcast_in_dim3A_21 : vector<512x1xi32> to vector<512x1024xi32>
    %eq3A_23 = arith.cmpi eq, %iota3A, %eq3A_22 : vector<512x1024xi32>
    %convert_element_type3A = arith.extui %eq3A_23 : vector<512x1024xi1> to vector<512x1024xi32>
    %convert_element_type3A_24 = arith.sitofp %convert_element_type3A : vector<512x1024xi32> to vector<512x1024xf32>
    %get3A_25 = arith.constant 0 : index
    %get3A_26 = arith.constant 0 : index
    %get3A_27 = vector.load %arg3[%get3A_25, %get3A_26] : memref<1024x64xf32, #tpu.memory_space<vmem>>, vector<1024x64xf32>
    %dot_general3A_28 = arith.constant dense<0.000000e+00> : vector<512x64xf32>
    %dot_general3A_29 = tpu.matmul %convert_element_type3A_24, %get3A_27, %dot_general3A_28 {dimension_numbers = #tpu.dot_dimension_numbers<[1], [0], [0], [1], [0, 0, 1, 1], [], []>, precision = #tpu.contract_precision<fp32>, transpose_lhs_hint = false} : vector<512x1024xf32>, vector<1024x64xf32>, vector<512x64xf32> -> vector<512x64xf32>
    %swap3A = arith.constant 0 : index
    %swap3A_30 = arith.constant 0 : index
    %swap3A_31 = vector.load %arg5[%swap3A, %swap3A_30] : memref<512x64xf32, #tpu.memory_space<vmem>>, vector<512x64xf32>
    tpu.vector_store %arg5[%swap3A, %swap3A_30], %dot_general3A_29 {strides = array<i32>} : memref<512x64xf32, #tpu.memory_space<vmem>>, vector<512x64xf32>,
    %eq3A_32 = arith.constant 0 : i32
    %eq3A_33 = arith.cmpi eq, %arg0, %eq3A_32 : i32
    %convert_element_type3A_34 = arith.extui %eq3A_33 : i1 to i32
    %cond3A = arith.constant 0 : i32
    %cond3A_35 = arith.cmpi ne, %convert_element_type3A_34, %cond3A : i32
    scf.if %cond3A_35 {
      %swap3A_48 = arith.constant 0.000000e+00 : f32
      %swap3A_49 = arith.constant 0 : index
      %swap3A_50 = arith.constant 0 : index
      %swap3A_51 = memref.load %arg6[%swap3A_49, %swap3A_50] : memref<1x1xf32, #tpu.memory_space<smem>>
      memref.store %swap3A_48, %arg6[%swap3A_49, %swap3A_50] : memref<1x1xf32, #tpu.memory_space<smem>>
    } else {
    }
    %get3A_36 = arith.constant 0 : index
    %get3A_37 = arith.constant 0 : index
    %get3A_38 = memref.load %arg6[%get3A_36, %get3A_37] : memref<1x1xf32, #tpu.memory_space<smem>>
    %reduce_sum3A_39 = vector.shape_cast %broadcast_in_dim3A_16 : vector<512x1xf32> to vector<1x512x1xf32>
    %reduce_sum3A_40 = arith.constant dense<0.000000e+00> : vector<1xf32>
    %reduce_sum3A_41 = vector.multi_reduction <add>, %reduce_sum3A_39, %reduce_sum3A_40 [1, 2] : vector<1x512x1xf32> to vector<1xf32>
    %reduce_sum3A_42 = vector.shape_cast %reduce_sum3A_41 : vector<1xf32> to vector<1x1x1xf32>
    %reduce_sum3A_43 = vector.extract %reduce_sum3A_42[0, 0, 0] : f32 from vector<1x1x1xf32>
    %add3A_44 = arith.addf %get3A_38, %reduce_sum3A_43 : f32
    %swap3A_45 = arith.constant 0 : index
    %swap3A_46 = arith.constant 0 : index
    %swap3A_47 = memref.load %arg6[%swap3A_45, %swap3A_46] : memref<1x1xf32, #tpu.memory_space<smem>>
    memref.store %add3A_44, %arg6[%swap3A_45, %swap3A_46] : memref<1x1xf32, #tpu.memory_space<smem>>
    return
  }
  func.func @transform_0(%arg0: i32) -> (i32, i32) {
    %c0_i32 = arith.constant 0 : i32
    %c0_i32_0 = arith.constant 0 : i32
    return %arg0, %c0_i32 : i32, i32
  }
  func.func @transform_1(%arg0: i32) -> (i32, i32) {
    %c0_i32 = arith.constant 0 : i32
    %c0_i32_0 = arith.constant 0 : i32
    %c0_i32_1 = arith.constant 0 : i32
    return %c0_i32, %c0_i32_0 : i32, i32
  }
  func.func @transform_2(%arg0: i32) -> (i32, i32) {
    %c0_i32 = arith.constant 0 : i32
    %c0_i32_0 = arith.constant 0 : i32
    %c0_i32_1 = arith.constant 0 : i32
    return %c0_i32, %c0_i32_0 : i32, i32
  }
  func.func @transform_3(%arg0: i32) -> (i32, i32) {
    %c0_i32 = arith.constant 0 : i32
    %c0_i32_0 = arith.constant 0 : i32
    %c0_i32_1 = arith.constant 0 : i32
    return %c0_i32, %c0_i32_0 : i32, i32
  }
  func.func @transform_4(%arg0: i32) -> (i32, i32) {
    %c0_i32 = arith.constant 0 : i32
    %c0_i32_0 = arith.constant 0 : i32
    return %arg0, %c0_i32 : i32, i32
  }
  func.func @transform_5(%arg0: i32) -> (i32, i32) {
    %c0_i32 = arith.constant 0 : i32
    %c0_i32_0 = arith.constant 0 : i32
    %c0_i32_1 = arith.constant 0 : i32
    return %c0_i32, %c0_i32_0 : i32, i32
  }
}

</mosaic_0001>

<sc_bundles>
// kernel: kernel.4.cloned.1.call-start
scs
__scs_entry_jumppad:
0x0: {  	(pc) =	sbr.rel $0x88, $3  }
0x1: {  	(tag) =	ssettag $0x0;
	lr =	simm.s32 $0x1  }
0x2: {  	[smem:$0x3F9B] =	sst lr;
	_ =	strace $0xD0000000  }
0x3: {  	_ = 	snop  }
0x4: {  	_ = 	snop  }
0x5: {  	_ = 	snop  }
0x6: {  	_ = 	snop  }
0x7: {  	_ = 	snop  }
__scs_overlays_trampoline_lowered:
0x8: {  	[smem:$0x3FAA] =	sst s0  }
0x9: {  	[smem:$0x3FAB] =	sst s1  }
0xa: {  	[smem:$0x3FAC] =	sst s2  }
0xb: {  	[smem:$0x3FAD] =	sst s3  }
0xc: {  	[smem:$0x3FAE] =	sst s4  }
0xd: {  	[smem:$0x3FAF] =	sst s5  }
0xe: {  	[smem:$0x3FB0] =	sst s6  }
0xf: {  	[smem:$0x3FB1] =	sst s7  }
0x10: {  	[smem:$0x3FB2] =	sst s8  }
0x11: {  	[smem:$0x3FB3] =	sst s9;
	s0 =	simm.s32 @!p0 $0x0  }
0x12: {  	s1 =	sld [smem:$0x3F99];
	s0 =	simm.s32 @p0 $0x1  }
0x13: {  	[smem:$0x3FB4] =	sst s0;
	s0 =	simm.s32 @!p1 $0x0  }
0x14: {  	s2 =	sld [smem:$0x3F98];
	s0 =	simm.s32 @p1 $0x1  }
0x15: {  	[smem:$0x3FB5] =	sst s0;
	s0 =	simm.s32 @!p2 $0x0  }
0x16: {  	s3 =	sld [smem:$0x3FDB];
	s0 =	simm.s32 @p2 $0x1  }
0x17: {  	s4 =	simm.s32 $0x1BF5;
	[smem:$0x3FB7] =	sst s0  }
0x18: {  	s0 =	sld [smem:$0x3F9A];
	_ =	swait.ge [sflag:s4], $0x0  }
0x19: {  	s7 =	sld [smem:$0x3F9B]  }
0x1a: {  	s8 =	sadd.s32 $0xFFFFE003, lr  }
0x1b: {  	s9 =	sadd.s32 $0xFFFFFEF7, lr;
	s5 =	simm.s32 $0xFFFFFFFF;
	p2 =	slt.u32 s8, $0xFFFFF086  }
0x1c: {  	p1 =	slt.u32 s9, $0xF7A;
	s5 =	simm.s32 @!p2 $0x0  }
0x1d: {  	s5 =	simm.s32 @p1 $0x1;
	p0 =	seq.s32 s7, s2  }
0x1e: {  	s7 =	smul.u32 @!p0 $0xF7A, s2;
	p2 =	seq.s32 @!p0 s5, $0x0  }
0x1f: {  	s9 =	smul.u32 $0xF7A, s1;
	s8 =	simm.s32 @!p0 $0x1BF5;
	p2 =	por !p2, p0  }
0x20: {  	[sflag:s8] =	ssyncset.s32 @!p0 $0xFFFFF086;
	s6 =	sadd.s32 @!p0 s3, s7;
	s7 =	simm.s32 @!p0 $0x108  }
0x21: {  	s3 =	sadd.s32 s3, s9;
	s6 =	sadd.s32 @!p0 $0x88, s6;
	s7 =	simm.s32 @p2 $0x1082  }
0x22: {  	[simem:s7], [sflag:s8] =	dma.local @!p0 [hbm:s6], $0xF7A  }
0x23: {  	s9 =	sor.u32 $0xD0000000, s2;
	s6 =	simm.s32 $0x108;
	_ =	swait.ge @!p0 [sflag:s8], $0x0  }
0x24: {  	s3 =	sadd.s32 $0x88, s3;
	s6 =	simm.s32 @!p1 $0x1082;
	[sflag:s4] =	ssyncset.s32 $0xFFFFF086  }
0x25: {  	[simem:s6], [sflag:s4] =	dma.local [hbm:s3], $0xF7A  }
0x26: {  	[smem:$0x3F9B] =	sst s1;
	(tag) =	ssettag s2;
	_ =	strace s9  }
0x27: {  	s1 =	sld [smem:$0x3FAB]  }
0x28: {  	s2 =	sld [smem:$0x3FAC]  }
0x29: {  	s4 =	sld [smem:$0x3FAE]  }
0x2a: {  	p0 =	seq.s32 s5, $0x0;
	s5 =	sld [smem:$0x3FAF]  }
0x2b: {  	s6 =	sld [smem:$0x3FB0]  }
0x2c: {  	s7 =	sld [smem:$0x3FB1]  }
0x2d: {  	s3 =	simm.s32 $0x108;
	s8 =	sld [smem:$0x3FB2]  }
0x2e: {  	s3 =	simm.s32 @!p0 $0x1082;
	s9 =	sld [smem:$0x3FB3]  }
0x2f: {  	lr =	sadd.s32 s0, s3;
	s0 =	sld [smem:$0x3FAA]  }
0x30: {  	s3 =	sld [smem:$0x3FAD]  }
0x31: {  	[smem:$0x3FB6] =	sst s10  }
0x32: {  	s10 =	sld [smem:$0x3FB4];
	_ =	sdelay $0x3  }
0x33: {  	p0 =	seq.s32 s10, $0x1;
	s10 =	sld [smem:$0x3FB6];
	_ =	sdelay $0x3  }
0x34: {  	[smem:$0x3FB6] =	sst s10  }
0x35: {  	s10 =	sld [smem:$0x3FB5];
	_ =	sdelay $0x3  }
0x36: {  	p1 =	seq.s32 s10, $0x1;
	s10 =	sld [smem:$0x3FB6];
	_ =	sdelay $0x3  }
0x37: {  	[smem:$0x3FB6] =	sst s10  }
0x38: {  	s10 =	sld [smem:$0x3FB7]  }
0x39: {  	_ = 	snop;
	(pc) =	sbr.ind lr, $3  }
0x3a: {  	_ = 	snop  }
0x3b: {  	_ = 	snop  }
0x3c: {  	p2 =	seq.s32 s10, $0x1;
	s10 =	sld [smem:$0x3FB6]  }
0x3d: {  	_ =	shalt  }
0x3e: {  	_ =	shalt  }
0x3f: {  	_ =	shalt  }
0x40: {  	_ =	shalt  }
0x41: {  	_ =	shalt  }
0x42: {  	_ =	shalt  }
0x43: {  	_ =	shalt  }
0x44: {  	_ =	shalt  }
0x45: {  	_ =	shalt  }
0x46: {  	_ =	shalt  }
0x47: {  	_ =	shalt  }
0x48: {  	_ =	shalt  }
0x49: {  	_ =	shalt  }
0x4a: {  	_ =	shalt  }
0x4b: {  	_ =	shalt  }
0x4c: {  	_ =	shalt  }
0x4d: {  	_ =	shalt  }
0x4e: {  	_ =	shalt  }
0x4f: {  	_ =	shalt  }
0x50: {  	_ =	shalt  }
0x51: {  	_ =	shalt  }
0x52: {  	_ =	shalt  }
0x53: {  	_ =	shalt  }
0x54: {  	_ =	shalt  }
0x55: {  	_ =	shalt  }
0x56: {  	_ =	shalt  }
0x57: {  	_ =	shalt  }
0x58: {  	_ =	shalt  }
0x59: {  	_ =	shalt  }
0x5a: {  	_ =	shalt  }
0x5b: {  	_ =	shalt  }
0x5c: {  	_ =	shalt  }
0x5d: {  	_ =	shalt  }
0x5e: {  	_ =	shalt  }
0x5f: {  	_ =	shalt  }
0x60: {  	_ =	shalt  }
0x61: {  	_ =	shalt  }
0x62: {  	_ =	shalt  }
0x63: {  	_ =	shalt  }
0x64: {  	_ =	shalt  }
0x65: {  	_ =	shalt  }
0x66: {  	_ =	shalt  }
0x67: {  	_ =	shalt  }
0x68: {  	_ =	shalt  }
0x69: {  	_ =	shalt  }
0x6a: {  	_ =	shalt  }
0x6b: {  	_ =	shalt  }
0x6c: {  	_ =	shalt  }
0x6d: {  	_ =	shalt  }
0x6e: {  	_ =	shalt  }
0x6f: {  	_ =	shalt  }
0x70: {  	_ =	shalt  }
0x71: {  	_ =	shalt  }
0x72: {  	_ =	shalt  }
0x73: {  	_ =	shalt  }
0x74: {  	_ =	shalt  }
0x75: {  	_ =	shalt  }
0x76: {  	_ =	shalt  }
0x77: {  	_ =	shalt  }
0x78: {  	_ =	shalt  }
0x79: {  	_ =	shalt  }
0x7a: {  	_ =	shalt  }
0x7b: {  	_ =	shalt  }
0x7c: {  	_ =	shalt  }
0x7d: {  	_ =	shalt  }
0x7e: {  	_ =	shalt  }
0x7f: {  	_ =	shalt  }
0x80: {  	_ =	shalt  }
0x81: {  	_ =	shalt  }
0x82: {  	_ =	shalt  }
0x83: {  	_ =	shalt  }
0x84: {  	_ =	shalt  }
0x85: {  	_ =	shalt  }
0x86: {  	_ =	shalt  }
0x87: {  	_ =	shalt  }
.Lfunc_end0:
.L_simem_size_0:
called_computation_lowered:
.L_overlay_start_0:
0x88: {  	s2 =	sld [smem:$0x3FD9]  }
0x89: {  	s3 =	sld [smem:$0x3FFE];
	_ =	sdelay $0x1  }
0x8a: {  	s1 =	srdreg.scid  }
0x8b: {  	s0 =	sand.u32 $0x1, s1  }
0x8c: {  	s17 =	sshll.u32 s0, $0xA;
	s2 =	sadd.s32 s3, s2  }
0x8d: {  	s2 =	sadd.s32 s2, s17  }
0x8e: {  	[smem:$0x3FC2] =	sst s2  }
0x8f: {  	_ = 	snop  }
0x90: {  	s2 =	sld [smem:$0x3FC9]  }
0x91: {  	s18 =	sld [smem:$0x3FC8]  }
0x92: {  	s4 =	sld [smem:$0x3FC7];
	(tm) =	ssettm $0x1  }
0x93: {  	s5 =	sld [smem:$0x3FFB];
	_ =	sdelay $0x3  }
0x94: {  	_ =	strace s5  }
0x95: {  	s5 =	sld [smem:$0x3FFC];
	_ =	sdelay $0x3  }
0x96: {  	_ =	strace s5  }
0x97: {  	s5 =	sld [smem:$0x3FFD];
	_ =	sdelay $0x3  }
0x98: {  	_ =	strace s5  }
0x99: {  	_ =	strace $0x8FFFFFFF  }
0x9a: {  	s19 =	sld [smem:$0x3FDB];
	_ =	sdelay $0x1  }
0x9b: {  	s6 =	simm.s32 $_scs_section_size  }
0x9c: {  	s7 =	simm.s32 $_size__tile_overlayer_lowered;
	s8 =	simm.s32 $_tile_overlayer_lowered  }
0x9d: {  	s22 =	simm.s32 $0x1BFF;
	s21 =	sshll.u32 s8, $0x1;
	s5 =	sadd.s32 s6, s19  }
0x9e: {  	s9 =	simm.s32 $0x0;
	s20 =	sshll.u32 s7, $0x1;
	s7 =	sadd.s32 s21, s5  }
0x9f: {  	[timem:s9], [sflag:s22] =	dma.local [hbm:s7], s20  }
0xa0: {  	_ =	swait.ge [sflag:s22], s20  }
0xa1: {  	s6 =	ssub.s32 $0x0, s20;
	[sflag:s22] =	ssyncset.done $0x0  }
0xa2: {  	[sflag:s22] =	ssyncadd.s32 s6;
	_ =	sdelay $0x1  }
0xa3: {  	s23 =	simm.s32 $0x1B8B  }
0xa4: {  	_ =	swait.ge [sflag:s23], $0x1  }
0xa5: {  	[sflag:s23] =	ssyncset.done $0x0  }
0xa6: {  	s25 =	simm.s32 $0x1B8E;
	s24 =	sld [smem:$0x3FFE];
	[sflag:s23] =	ssyncadd.s32 $0xFFFFFFFF  }
0xa7: {  	s26 =	simm.s32 $execute0_lowered;
	[smem:$0x3FD2] =	sst s25  }
0xa8: {  	s7 =	sshll.u32 s26, $0x1;
	_ =	strace $0x80000046;
	[dreg:$0x1] =	wrdreg $0xFFFFFFFF  }
0xa9: {  	s28 =	simm.s32 $_size_execute0_lowered;
	s5 =	sadd.s32 s5, s7;
	[dreg:$0x0] =	wrdreg $0x0  }
0xaa: {  	s7 =	sshll.u32 s28, $0x1;
	[dreg:$0x2] =	wrdreg s5  }
0xab: {  	[dreg:$0x3] =	wrdreg s7  }
0xac: {  	[dreg:$0x4] =	wrdreg $0xC0  }
0xad: {  	_ =	task [dreg:s9], $0x5FFFF  }
0xae: {  	[dreg:$0x1] =	wrdreg $0xFFFFFFFF  }
0xaf: {  	[dreg:$0x0] =	wrdreg $0x60  }
0xb0: {  	[dreg:$0x2] =	wrdreg s2  }
0xb1: {  	[dreg:$0x3] =	wrdreg s18  }
0xb2: {  	[dreg:$0x4] =	wrdreg s4  }
0xb3: {  	[dreg:$0x5] =	wrdreg s24  }
0xb4: {  	[dreg:$0x6] =	wrdreg $0x9  }
0xb5: {  	_ =	task.clear_ibuf [dreg:s9], $0x7FFFF;
	_ =	strace $0x90000046  }
0xb6: {  	s29 =	simm.s32 $0x9;
	_ =	strace $0x80000048  }
0xb7: {  	_ =	swait.ge [sflag:s29], $0x1  }
0xb8: {  	[sflag:s29] =	ssyncadd.s32 $0xFFFFFFFF  }
0xb9: {  	_ =	strace $0x90000048  }
0xba: {  	_ =	sfence  }
0xbb: {  	s30 =	sld [smem:$0x0];
	_ =	sdelay $0x2  }
0xbc: {  	s31 =	sshll.u32 s1, $0xD;
	s1 =	sshrl.u32 s1, $0x2  }
0xbd: {  	s3 =	sand.u32 $0x4000, s31;
	s1 =	sadd.s32 s1, s30  }
0xbe: {  	s0 =	sor.u32 s3, s0;
	s1 =	sshll.u32 s1, $0x11  }
0xbf: {  	s0 =	sor.u32 s1, s0  }
0xc0: {  	s0 =	sadd.s32 $0x8F2B, s0  }
0xc1: {  	[sflag:s0] =	ssyncadd.remote.s32 $0x1  }
0xc2: {  	_ =	sfence.sel $0xFFFF  }
0xc3: {  	[dreg:$0x0] =	wrdreg $0xFFFFFFFF;
	(pc) =	sbr.abs _section_cstart, $3  }
0xc4: {  	[dreg:$0x1] =	wrdreg $0xFFFFFFFF  }
0xc5: {  	_ =	task.clear_ibuf [dreg:s9], $0x2FFFF;
	_ =	strace $0x9FFFFFFF  }
0xc6: {  	(tm) =	ssettm $0x7FFFFFFF  }
0xc7: {  	_ =	shalt  }
tec
execute0_lowered:
.L_overlay_start_1:
0x0: {  	(tag) =	ssettag $0x1  }
0x1: {  	s5 =	rddreg [dreg:$0x0]  }
0x2: {  	s6 =	rddreg [dreg:$0x1]  }
0x3: {  	s7 =	rddreg [dreg:$0x2]  }
0x4: {  	s8 =	rddreg [dreg:$0x3];
	s1 =	simm.s32 $0x0;
	s4 =	srdreg.scid  }
0x5: {  	s0 =	stileid.u32;
	s15 =	simm.s32 $0x1;
	s16 =	simm.s32 $0x600  }
0x6: {  	s17 =	simm.s32 $0x0;
	[smem:$0x7FF] =	sst s1;
	s3 =	sadd.s32 $0x1A00, s8  }
0x7: {  	s9 =	sand.u32 $0x1, s4;
	s4 =	sadd.s32 $0xF44000, s8;
	s13 =	sshll.u32 s0, $0x7  }
0x8: {  	s11 =	sshll.u32 s9, $0xD;
	s12 =	ssub.s32 $0x2, s9;
	s9 =	sshll.u32 s9, $0x6  }
0x9: {  	s10 =	sshll.u32 s0, $0xE;
	_ =	strace $0x80000047;
	s9 =	sor.u32 s9, s13  }
0xa: {  	s10 =	sor.u32 s11, s10;
	s28 =	sshrl.u32 s12, $0x1;
	s29 =	sadd.s32 s5, s9  }
0xb: {  	s10 =	sadd.s32 s10, s8;
	s30 =	sadd.s32 s6, s9;
	[dreg:$0x5] =	wrdreg s29  }
0xc: {  	s11 =	ssub.s32 s12, s28;
	s31 =	sadd.s32 s7, s9;
	[dreg:$0x6] =	wrdreg s30  }
0xd: {  	s12 =	simm.s32 $0x2;
	[dreg:$0x7] =	wrdreg s31;
	s8 =	sadd.s32 $0x1E86400, s10  }
0xe: {  	s9 =	sadd.s32 $0x1EC6400, s10;
	s10 =	sadd.s32 $0x1F06400, s10;
	s11 =	smax.u32 s11, $0x1  }
.LBB2_1:
0xf: {  	s0 =	rddreg [dreg:$0x5]  }
0x10: {  	[tilespmem:s1], [sflag:$0x2] =	stream.linear.gather [hbm4b:s0+s1], $0x200, $0x38;
	[tilespmem:$0x10600] =	vst v63  }
0x11: {  	_ =	swait.ge [sflag:s12], $0x200  }
0x12: {  	[sflag:s12] =	ssyncset.done $0x0  }
0x13: {  	s2 =	simm.s32 $0x200;
	s29 =	rddreg [dreg:$0x6];
	[sflag:s12] =	ssyncadd.s32 $0xFFFFFE00  }
0x14: {  	[tilespmem:s2], [sflag:$0x2] =	stream.linear.gather [hbm4b:s29+s1], $0x200, $0x38;
	[tilespmem:$0x10600] =	vst v63  }
0x15: {  	_ =	swait.ge [sflag:s12], $0x200  }
0x16: {  	[sflag:s12] =	ssyncset.done $0x0  }
0x17: {  	s31 =	simm.s32 $0x400;
	s30 =	rddreg [dreg:$0x7];
	[sflag:s12] =	ssyncadd.s32 $0xFFFFFE00  }
0x18: {  	[tilespmem:s31], [sflag:$0x2] =	stream.linear.gather [hbm4b:s30+s1], $0x200, $0x38;
	[tilespmem:$0x10600] =	vst v63  }
0x19: {  	_ =	swait.ge [sflag:s12], $0x200  }
0x1a: {  	[sflag:s12] =	ssyncset.done $0x0  }
0x1b: {  	s18 =	sand.u32 $0x1F0, s1;
	[sflag:s12] =	ssyncadd.s32 $0xFFFFFE00  }
0x1c: {  	v0 =	vld [tilespmem:s18+$0x0];
	_ =	sdelay $0x4  }
0x1d: {  	v0 =	vshll.u32 v0, $0x4  }
0x1e: {  	(v2sf) =	vpush v0, $0x0  }
0x1f: {  	(v2sf) =	vpush v0, $0x2  }
0x20: {  	(v2sf) =	vpush v0, $0x1;
	_ =	sdelay $0x1  }
0x21: {  	(v2sf) =	vpush v0, $0x3  }
0x22: {  	(v2sf) =	vpush v0, $0x4;
	_ =	sdelay $0x2  }
0x23: {  	s20 =	simm.s32 $0x10;
	s19 =	simm.s32 $0x0;
	s18 =	simm.s32 $0x2000  }
.LBB2_2:
0x24: {  	p0 =	sne.s32 s18, $0x3E000;
	(v2sf) =	vpush v0, $0x5;
	s22 =	smov.u32 s18;
	s18 =	sadd.s32 $0x2000, s18  }
0x25: {  	s21 =	sshra.s32 s19, $0x2;
	s19 =	smov.u32 s22  }
0x26: {  	s30 =	sadd.s32 $0x680, s21;
	(v2sf) =	vpush v0, $0x6  }
0x27: {  	s31 =	sadd.s32 $0x600, s21  }
0x28: {  	s24 =	sadd.s32 $0xB80, s21;
	s23 =	sadd.s32 $0xC00, s21;
	s22 =	sadd.s32 $0xC80, s21;
	(v2sf) =	vpush v0, $0x7  }
0x29: {  	s28 =	sadd.s32 $0xA00, s21;
	s26 =	sadd.s32 $0xA80, s21;
	s25 =	sadd.s32 $0xB00, s21  }
0x2a: {  	s0 =	sadd.s32 $0x900, s21;
	s29 =	sadd.s32 $0x980, s21;
	s2 =	spop (v2sf);
	(v2sf) =	vpush v0, $0x8  }
0x2b: {  	s13 =	sadd.s32 $0x700, s21;
	s2 =	sand.u32 $0x1FFFFFF0, s2;
	s14 =	spop (v2sf)  }
0x2c: {  	s5 =	sadd.s32 $0x880, s21;
	s2 =	sadd.s32 s4, s2;
	s6 =	spop (v2sf);
	(v2sf) =	vpush v0, $0x9  }
0x2d: {  	[tilespmem:s31], [sflag:$0x1] =	stream.linear.gather [hbm4b:s2+s1], $0x80, $0x38;
	[tilespmem:$0x10600] =	vst v63  }
0x2e: {  	s2 =	sand.u32 $0x1FFFFFF0, s6;
	s6 =	sand.u32 $0x1FFFFFF0, s14;
	s14 =	spop (v2sf);
	(v2sf) =	vpush v0, $0xA  }
0x2f: {  	s31 =	sadd.s32 $0x800, s21;
	s2 =	sadd.s32 s4, s2;
	s7 =	spop (v2sf)  }
0x30: {  	[tilespmem:s30], [sflag:$0x1] =	stream.linear.gather [hbm4b:s2+s1], $0x80, $0x38;
	(v2sf) =	vpush v0, $0xB;
	[tilespmem:$0x10600] =	vst v63  }
0x31: {  	s2 =	sadd.s32 s4, s6;
	s6 =	sand.u32 $0x1FFFFFF0, s14;
	s7 =	sand.u32 $0x1FFFFFF0, s7  }
0x32: {  	[tilespmem:s13], [sflag:$0x1] =	stream.linear.gather [hbm4b:s2+s1], $0x80, $0x38;
	(v2sf) =	vpush v0, $0xC;
	[tilespmem:$0x10600] =	vst v63  }
0x33: {  	s6 =	sadd.s32 s4, s6;
	s2 =	sadd.s32 $0x780, s21;
	s13 =	spop (v2sf)  }
0x34: {  	[tilespmem:s2], [sflag:$0x1] =	stream.linear.gather [hbm4b:s6+s1], $0x80, $0x38;
	(v2sf) =	vpush v0, $0xD;
	[tilespmem:$0x10600] =	vst v63  }
0x35: {  	s2 =	sadd.s32 s4, s7;
	s6 =	sand.u32 $0x1FFFFFF0, s13;
	s7 =	spop (v2sf)  }
0x36: {  	[tilespmem:s31], [sflag:$0x1] =	stream.linear.gather [hbm4b:s2+s1], $0x80, $0x38;
	(v2sf) =	vpush v0, $0xE;
	[tilespmem:$0x10600] =	vst v63  }
0x37: {  	s2 =	sadd.s32 s4, s6;
	s6 =	sand.u32 $0x1FFFFFF0, s7;
	s7 =	spop (v2sf)  }
0x38: {  	[tilespmem:s5], [sflag:$0x1] =	stream.linear.gather [hbm4b:s2+s1], $0x80, $0x38;
	(v2sf) =	vpush v0, $0xF;
	[tilespmem:$0x10600] =	vst v63  }
0x39: {  	s2 =	sadd.s32 s4, s6;
	s5 =	sand.u32 $0x1FFFFFF0, s7;
	s6 =	spop (v2sf)  }
0x3a: {  	[tilespmem:s0], [sflag:$0x1] =	stream.linear.gather [hbm4b:s2+s1], $0x80, $0x38;
	[tilespmem:$0x10600] =	vst v63  }
0x3b: {  	s0 =	sadd.s32 s4, s5;
	s2 =	sand.u32 $0x1FFFFFF0, s6;
	s5 =	spop (v2sf)  }
0x3c: {  	[tilespmem:s29], [sflag:$0x1] =	stream.linear.gather [hbm4b:s0+s1], $0x80, $0x38;
	[tilespmem:$0x10600] =	vst v63  }
0x3d: {  	s0 =	sadd.s32 s4, s2;
	s2 =	sand.u32 $0x1FFFFFF0, s5;
	s5 =	spop (v2sf)  }
0x3e: {  	[tilespmem:s28], [sflag:$0x1] =	stream.linear.gather [hbm4b:s0+s1], $0x80, $0x38;
	[tilespmem:$0x10600] =	vst v63  }
0x3f: {  	s0 =	sadd.s32 s4, s2;
	s2 =	sand.u32 $0x1FFFFFF0, s5;
	s5 =	spop (v2sf)  }
0x40: {  	[tilespmem:s26], [sflag:$0x1] =	stream.linear.gather [hbm4b:s0+s1], $0x80, $0x38;
	[tilespmem:$0x10600] =	vst v63  }
0x41: {  	s0 =	sadd.s32 s4, s2;
	s2 =	sand.u32 $0x1FFFFFF0, s5;
	s5 =	spop (v2sf)  }
0x42: {  	[tilespmem:s25], [sflag:$0x1] =	stream.linear.gather [hbm4b:s0+s1], $0x80, $0x38;
	[tilespmem:$0x10600] =	vst v63  }
0x43: {  	s0 =	sadd.s32 s4, s2;
	s2 =	sand.u32 $0x1FFFFFF0, s5;
	s5 =	spop (v2sf)  }
0x44: {  	[tilespmem:s24], [sflag:$0x1] =	stream.linear.gather [hbm4b:s0+s1], $0x80, $0x38;
	[tilespmem:$0x10600] =	vst v63  }
0x45: {  	s0 =	sadd.s32 s4, s2;
	s2 =	sand.u32 $0x1FFFFFF0, s5;
	s5 =	spop (v2sf)  }
0x46: {  	[tilespmem:s23], [sflag:$0x1] =	stream.linear.gather [hbm4b:s0+s1], $0x80, $0x38;
	[tilespmem:$0x10600] =	vst v63  }
0x47: {  	s0 =	sadd.s32 s4, s2;
	s2 =	sand.u32 $0x1FFFFFF0, s5;
	s5 =	spop (v2sf)  }
0x48: {  	[tilespmem:s22], [sflag:$0x1] =	stream.linear.gather [hbm4b:s0+s1], $0x80, $0x38;
	[tilespmem:$0x10600] =	vst v63  }
0x49: {  	s2 =	sadd.s32 s4, s2;
	s0 =	sadd.s32 $0xD00, s21;
	s5 =	sand.u32 $0x1FFFFFF0, s5  }
0x4a: {  	[tilespmem:s0], [sflag:$0x1] =	stream.linear.gather [hbm4b:s2+s1], $0x80, $0x38;
	[tilespmem:$0x10600] =	vst v63  }
0x4b: {  	s5 =	sadd.s32 s4, s5;
	s0 =	sand.u32 $0x1F0, s20;
	s2 =	sadd.s32 $0xD80, s21  }
0x4c: {  	[tilespmem:s2], [sflag:$0x1] =	stream.linear.gather [hbm4b:s5+s1], $0x80, $0x38;
	[tilespmem:$0x10600] =	vst v63  }
0x4d: {  	v0 =	vld [tilespmem:s0+$0x0];
	_ =	sdelay $0x4  }
0x4e: {  	v0 =	vshll.u32 v0, $0x4  }
0x4f: {  	(v2sf) =	vpush v0, $0x0  }
0x50: {  	(v2sf) =	vpush v0, $0x2  }
0x51: {  	(v2sf) =	vpush v0, $0x1;
	_ =	sdelay $0x1  }
.Ltmp0:
0x52: {  	(v2sf) =	vpush v0, $0x3;
	(pc) =	sbr.rel @p0 .LBB2_2-.Ltmp0, $2  }
0x53: {  	(v2sf) =	vpush v0, $0x4;
	_ =	sdelay $0x2  }
0x54: {  	s20 =	sadd.s32 $0x10, s20  }
0x55: {  	(v2sf) =	vpush v0, $0x5;
	_ =	sdelay $0x1  }
0x56: {  	s18 =	sshra.s32 s19, $0x2;
	(v2sf) =	vpush v0, $0x6  }
0x57: {  	s0 =	sadd.s32 $0x680, s18;
	s2 =	sadd.s32 $0x600, s18  }
0x58: {  	s21 =	sadd.s32 $0xB80, s18;
	s20 =	sadd.s32 $0xC00, s18;
	s19 =	sadd.s32 $0xC80, s18;
	(v2sf) =	vpush v0, $0x7  }
0x59: {  	s5 =	sadd.s32 $0xA00, s18;
	s6 =	sadd.s32 $0xA80, s18;
	s7 =	sadd.s32 $0xB00, s18  }
0x5a: {  	s13 =	sadd.s32 $0x900, s18;
	s14 =	sadd.s32 $0x980, s18;
	s22 =	spop (v2sf);
	(v2sf) =	vpush v0, $0x8  }
0x5b: {  	s23 =	sadd.s32 $0x700, s18;
	s22 =	sand.u32 $0x1FFFFFF0, s22;
	s24 =	spop (v2sf)  }
0x5c: {  	s25 =	sadd.s32 $0x880, s18;
	s22 =	sadd.s32 s4, s22;
	s26 =	spop (v2sf);
	(v2sf) =	vpush v0, $0x9  }
0x5d: {  	[tilespmem:s2], [sflag:$0x1] =	stream.linear.gather [hbm4b:s22+s1], $0x80, $0x38;
	[tilespmem:$0x10600] =	vst v63  }
0x5e: {  	s30 =	sand.u32 $0x1FFFFFF0, s24;
	s29 =	sand.u32 $0x1FFFFFF0, s26;
	s31 =	spop (v2sf);
	(v2sf) =	vpush v0, $0xA  }
0x5f: {  	s26 =	sadd.s32 $0x800, s18;
	s2 =	sadd.s32 s4, s29;
	s28 =	spop (v2sf)  }
0x60: {  	[tilespmem:s0], [sflag:$0x1] =	stream.linear.gather [hbm4b:s2+s1], $0x80, $0x38;
	(v2sf) =	vpush v0, $0xB;
	[tilespmem:$0x10600] =	vst v63  }
0x61: {  	s22 =	sadd.s32 s4, s30;
	s30 =	sadd.s32 $0x780, s18;
	s24 =	sand.u32 $0x1FFFFFF0, s31  }
0x62: {  	(v2sf) =	vpush v0, $0xC;
	[tilespmem:s23], [sflag:$0x1] =	stream.linear.gather [hbm4b:s22+s1], $0x80, $0x38;
	[tilespmem:$0x10600] =	vst v63  }
0x63: {  	s29 =	sand.u32 $0x1FFFFFF0, s28;
	s2 =	sadd.s32 s4, s24;
	s31 =	spop (v2sf)  }
0x64: {  	[tilespmem:s30], [sflag:$0x1] =	stream.linear.gather [hbm4b:s2+s1], $0x80, $0x38;
	(v2sf) =	vpush v0, $0xD;
	[tilespmem:$0x10600] =	vst v63  }
0x65: {  	s2 =	sadd.s32 s4, s29;
	s22 =	sand.u32 $0x1FFFFFF0, s31;
	s23 =	spop (v2sf)  }
0x66: {  	(v2sf) =	vpush v0, $0xE;
	[tilespmem:s26], [sflag:$0x1] =	stream.linear.gather [hbm4b:s2+s1], $0x80, $0x38;
	[tilespmem:$0x10600] =	vst v63  }
0x67: {  	s24 =	sadd.s32 s4, s22;
	s26 =	sand.u32 $0x1FFFFFF0, s23;
	s28 =	spop (v2sf)  }
0x68: {  	(v2sf) =	vpush v0, $0xF;
	[tilespmem:s25], [sflag:$0x1] =	stream.linear.gather [hbm4b:s24+s1], $0x80, $0x38;
	[tilespmem:$0x10600] =	vst v63  }
0x69: {  	s29 =	sadd.s32 s4, s26;
	s30 =	sand.u32 $0x1FFFFFF0, s28;
	s31 =	spop (v2sf)  }
0x6a: {  	[tilespmem:s13], [sflag:$0x1] =	stream.linear.gather [hbm4b:s29+s1], $0x80, $0x38;
	[tilespmem:$0x10600] =	vst v63  }
0x6b: {  	s13 =	sadd.s32 s4, s30;
	s23 =	sand.u32 $0x1FFFFFF0, s31;
	s24 =	spop (v2sf)  }
0x6c: {  	[tilespmem:s14], [sflag:$0x1] =	stream.linear.gather [hbm4b:s13+s1], $0x80, $0x38;
	[tilespmem:$0x10600] =	vst v63  }
0x6d: {  	s25 =	sadd.s32 s4, s23;
	s26 =	sand.u32 $0x1FFFFFF0, s24;
	s28 =	spop (v2sf)  }
0x6e: {  	[tilespmem:s5], [sflag:$0x1] =	stream.linear.gather [hbm4b:s25+s1], $0x80, $0x38;
	[tilespmem:$0x10600] =	vst v63  }
0x6f: {  	s29 =	sadd.s32 s4, s26;
	s30 =	sand.u32 $0x1FFFFFF0, s28;
	s31 =	spop (v2sf)  }
0x70: {  	[tilespmem:s6], [sflag:$0x1] =	stream.linear.gather [hbm4b:s29+s1], $0x80, $0x38;
	[tilespmem:$0x10600] =	vst v63  }
0x71: {  	s2 =	sadd.s32 s4, s30;
	s5 =	sand.u32 $0x1FFFFFF0, s31;
	s6 =	spop (v2sf)  }
0x72: {  	[tilespmem:s7], [sflag:$0x1] =	stream.linear.gather [hbm4b:s2+s1], $0x80, $0x38;
	[tilespmem:$0x10600] =	vst v63  }
0x73: {  	s13 =	sand.u32 $0x1FFFFFF0, s6;
	s7 =	sadd.s32 s4, s5;
	s14 =	spop (v2sf)  }
0x74: {  	[tilespmem:s21], [sflag:$0x1] =	stream.linear.gather [hbm4b:s7+s1], $0x80, $0x38;
	[tilespmem:$0x10600] =	vst v63  }
0x75: {  	s21 =	sadd.s32 s4, s13;
	s22 =	sand.u32 $0x1FFFFFF0, s14;
	s23 =	spop (v2sf)  }
0x76: {  	[tilespmem:s20], [sflag:$0x1] =	stream.linear.gather [hbm4b:s21+s1], $0x80, $0x38;
	[tilespmem:$0x10600] =	vst v63  }
0x77: {  	s24 =	sadd.s32 s4, s22;
	s25 =	sand.u32 $0x1FFFFFF0, s23;
	s26 =	spop (v2sf)  }
0x78: {  	[tilespmem:s19], [sflag:$0x1] =	stream.linear.gather [hbm4b:s24+s1], $0x80, $0x38;
	[tilespmem:$0x10600] =	vst v63  }
0x79: {  	s28 =	sadd.s32 $0xD00, s18;
	s2 =	sadd.s32 s4, s25;
	s5 =	sand.u32 $0x1FFFFFF0, s26  }
0x7a: {  	[tilespmem:s28], [sflag:$0x1] =	stream.linear.gather [hbm4b:s2+s1], $0x80, $0x38;
	[tilespmem:$0x10600] =	vst v63  }
0x7b: {  	s29 =	sadd.s32 $0xD80, s18;
	s30 =	sadd.s32 s4, s5  }
0x7c: {  	[tilespmem:s29], [sflag:$0x1] =	stream.linear.gather [hbm4b:s30+s1], $0x80, $0x38;
	[tilespmem:$0x10600] =	vst v63  }
0x7d: {  	_ =	swait.ge [sflag:s15], $0x10000  }
0x7e: {  	[sflag:s15] =	ssyncset.done $0x0  }
0x7f: {  	s18 =	simm.s32 $0x0;
	[sflag:s15] =	ssyncadd.s32 $0xFFFF0000  }
0x80: {  	[hbm4b:s8+s18] =	stream.linear.scatter [tilespmem:s16], [sflag:$0x2], $0x10000, $0x38;
	[tilespmem:$0x10600] =	vst v63  }
0x81: {  	_ =	swait.ge [sflag:s12], $0x10000  }
0x82: {  	[sflag:s12] =	ssyncset.done $0x0  }
0x83: {  	s31 =	sand.u32 $0x1F0, s18;
	[sflag:s12] =	ssyncadd.s32 $0xFFFF0000  }
0x84: {  	v0 =	vld [tilespmem:s31+$0x200];
	_ =	sdelay $0x4  }
0x85: {  	v0 =	vshll.u32 v0, $0x4  }
0x86: {  	(v2sf) =	vpush v0, $0x0  }
0x87: {  	(v2sf) =	vpush v0, $0x2  }
0x88: {  	(v2sf) =	vpush v0, $0x1;
	_ =	sdelay $0x1  }
0x89: {  	(v2sf) =	vpush v0, $0x3  }
0x8a: {  	(v2sf) =	vpush v0, $0x4;
	_ =	sdelay $0x2  }
0x8b: {  	s20 =	simm.s32 $0x10;
	s19 =	simm.s32 $0x2000  }
.LBB2_4:
0x8c: {  	p0 =	sne.s32 s19, $0x3E000;
	(v2sf) =	vpush v0, $0x5;
	s0 =	smov.u32 s19;
	s19 =	sadd.s32 $0x2000, s19  }
0x8d: {  	s21 =	sshra.s32 s18, $0x2;
	s18 =	smov.u32 s0  }
0x8e: {  	s0 =	sadd.s32 $0x680, s21;
	(v2sf) =	vpush v0, $0x6  }
0x8f: {  	s2 =	sadd.s32 $0x600, s21  }
0x90: {  	s24 =	sadd.s32 $0xB80, s21;
	s23 =	sadd.s32 $0xC00, s21;
	s22 =	sadd.s32 $0xC80, s21;
	(v2sf) =	vpush v0, $0x7  }
0x91: {  	s28 =	sadd.s32 $0xA00, s21;
	s26 =	sadd.s32 $0xA80, s21;
	s25 =	sadd.s32 $0xB00, s21  }
0x92: {  	s5 =	sadd.s32 $0x900, s21;
	s29 =	sadd.s32 $0x980, s21;
	s6 =	spop (v2sf);
	(v2sf) =	vpush v0, $0x8  }
0x93: {  	s7 =	sadd.s32 $0x700, s21;
	s6 =	sand.u32 $0x1FFFFFF0, s6;
	s13 =	spop (v2sf)  }
0x94: {  	s14 =	sadd.s32 $0x880, s21;
	s6 =	sadd.s32 s3, s6;
	s30 =	spop (v2sf);
	(v2sf) =	vpush v0, $0x9  }
0x95: {  	[tilespmem:s2], [sflag:$0x1] =	stream.linear.gather [hbm4b:s6+s1], $0x80, $0x38;
	[tilespmem:$0x10600] =	vst v63  }
0x96: {  	s2 =	sand.u32 $0x1FFFFFF0, s30;
	s6 =	sand.u32 $0x1FFFFFF0, s13;
	s13 =	spop (v2sf);
	(v2sf) =	vpush v0, $0xA  }
0x97: {  	s30 =	sadd.s32 $0x800, s21;
	s2 =	sadd.s32 s3, s2;
	s31 =	spop (v2sf)  }
0x98: {  	[tilespmem:s0], [sflag:$0x1] =	stream.linear.gather [hbm4b:s2+s1], $0x80, $0x38;
	(v2sf) =	vpush v0, $0xB;
	[tilespmem:$0x10600] =	vst v63  }
0x99: {  	s0 =	sadd.s32 s3, s6;
	s2 =	sand.u32 $0x1FFFFFF0, s13;
	s6 =	sand.u32 $0x1FFFFFF0, s31  }
0x9a: {  	[tilespmem:s7], [sflag:$0x1] =	stream.linear.gather [hbm4b:s0+s1], $0x80, $0x38;
	(v2sf) =	vpush v0, $0xC;
	[tilespmem:$0x10600] =	vst v63  }
0x9b: {  	s2 =	sadd.s32 s3, s2;
	s0 =	sadd.s32 $0x780, s21;
	s7 =	spop (v2sf)  }
0x9c: {  	[tilespmem:s0], [sflag:$0x1] =	stream.linear.gather [hbm4b:s2+s1], $0x80, $0x38;
	(v2sf) =	vpush v0, $0xD;
	[tilespmem:$0x10600] =	vst v63  }
0x9d: {  	s0 =	sadd.s32 s3, s6;
	s2 =	sand.u32 $0x1FFFFFF0, s7;
	s6 =	spop (v2sf)  }
0x9e: {  	[tilespmem:s30], [sflag:$0x1] =	stream.linear.gather [hbm4b:s0+s1], $0x80, $0x38;
	(v2sf) =	vpush v0, $0xE;
	[tilespmem:$0x10600] =	vst v63  }
0x9f: {  	s0 =	sadd.s32 s3, s2;
	s2 =	sand.u32 $0x1FFFFFF0, s6;
	s6 =	spop (v2sf)  }
0xa0: {  	[tilespmem:s14], [sflag:$0x1] =	stream.linear.gather [hbm4b:s0+s1], $0x80, $0x38;
	(v2sf) =	vpush v0, $0xF;
	[tilespmem:$0x10600] =	vst v63  }
0xa1: {  	s0 =	sadd.s32 s3, s2;
	s2 =	sand.u32 $0x1FFFFFF0, s6;
	s6 =	spop (v2sf)  }
0xa2: {  	[tilespmem:s5], [sflag:$0x1] =	stream.linear.gather [hbm4b:s0+s1], $0x80, $0x38;
	[tilespmem:$0x10600] =	vst v63  }
0xa3: {  	s0 =	sadd.s32 s3, s2;
	s2 =	sand.u32 $0x1FFFFFF0, s6;
	s5 =	spop (v2sf)  }
0xa4: {  	[tilespmem:s29], [sflag:$0x1] =	stream.linear.gather [hbm4b:s0+s1], $0x80, $0x38;
	[tilespmem:$0x10600] =	vst v63  }
0xa5: {  	s0 =	sadd.s32 s3, s2;
	s2 =	sand.u32 $0x1FFFFFF0, s5;
	s5 =	spop (v2sf)  }
0xa6: {  	[tilespmem:s28], [sflag:$0x1] =	stream.linear.gather [hbm4b:s0+s1], $0x80, $0x38;
	[tilespmem:$0x10600] =	vst v63  }
0xa7: {  	s0 =	sadd.s32 s3, s2;
	s2 =	sand.u32 $0x1FFFFFF0, s5;
	s5 =	spop (v2sf)  }
0xa8: {  	[tilespmem:s26], [sflag:$0x1] =	stream.linear.gather [hbm4b:s0+s1], $0x80, $0x38;
	[tilespmem:$0x10600] =	vst v63  }
0xa9: {  	s0 =	sadd.s32 s3, s2;
	s2 =	sand.u32 $0x1FFFFFF0, s5;
	s5 =	spop (v2sf)  }
0xaa: {  	[tilespmem:s25], [sflag:$0x1] =	stream.linear.gather [hbm4b:s0+s1], $0x80, $0x38;
	[tilespmem:$0x10600] =	vst v63  }
0xab: {  	s0 =	sadd.s32 s3, s2;
	s2 =	sand.u32 $0x1FFFFFF0, s5;
	s5 =	spop (v2sf)  }
0xac: {  	[tilespmem:s24], [sflag:$0x1] =	stream.linear.gather [hbm4b:s0+s1], $0x80, $0x38;
	[tilespmem:$0x10600] =	vst v63  }
0xad: {  	s0 =	sadd.s32 s3, s2;
	s2 =	sand.u32 $0x1FFFFFF0, s5;
	s5 =	spop (v2sf)  }
0xae: {  	[tilespmem:s23], [sflag:$0x1] =	stream.linear.gather [hbm4b:s0+s1], $0x80, $0x38;
	[tilespmem:$0x10600] =	vst v63  }
0xaf: {  	s0 =	sadd.s32 s3, s2;
	s2 =	sand.u32 $0x1FFFFFF0, s5;
	s5 =	spop (v2sf)  }
0xb0: {  	[tilespmem:s22], [sflag:$0x1] =	stream.linear.gather [hbm4b:s0+s1], $0x80, $0x38;
	[tilespmem:$0x10600] =	vst v63  }
0xb1: {  	s2 =	sadd.s32 s3, s2;
	s0 =	sadd.s32 $0xD00, s21;
	s5 =	sand.u32 $0x1FFFFFF0, s5  }
0xb2: {  	[tilespmem:s0], [sflag:$0x1] =	stream.linear.gather [hbm4b:s2+s1], $0x80, $0x38;
	[tilespmem:$0x10600] =	vst v63  }
0xb3: {  	s5 =	sadd.s32 s3, s5;
	s0 =	sand.u32 $0x1F0, s20;
	s2 =	sadd.s32 $0xD80, s21  }
0xb4: {  	[tilespmem:s2], [sflag:$0x1] =	stream.linear.gather [hbm4b:s5+s1], $0x80, $0x38;
	[tilespmem:$0x10600] =	vst v63  }
0xb5: {  	v0 =	vld [tilespmem:s0+$0x200];
	_ =	sdelay $0x4  }
0xb6: {  	v0 =	vshll.u32 v0, $0x4  }
0xb7: {  	(v2sf) =	vpush v0, $0x0  }
0xb8: {  	(v2sf) =	vpush v0, $0x2  }
0xb9: {  	(v2sf) =	vpush v0, $0x1;
	_ =	sdelay $0x1  }
.Ltmp1:
0xba: {  	(v2sf) =	vpush v0, $0x3;
	(pc) =	sbr.rel @p0 .LBB2_4-.Ltmp1, $2  }
0xbb: {  	(v2sf) =	vpush v0, $0x4;
	_ =	sdelay $0x2  }
0xbc: {  	s20 =	sadd.s32 $0x10, s20  }
0xbd: {  	(v2sf) =	vpush v0, $0x5;
	_ =	sdelay $0x1  }
0xbe: {  	s18 =	sshra.s32 s18, $0x2;
	(v2sf) =	vpush v0, $0x6  }
0xbf: {  	s0 =	sadd.s32 $0x680, s18;
	s2 =	sadd.s32 $0x600, s18  }
0xc0: {  	s21 =	sadd.s32 $0xB80, s18;
	s20 =	sadd.s32 $0xC00, s18;
	s19 =	sadd.s32 $0xC80, s18;
	(v2sf) =	vpush v0, $0x7  }
0xc1: {  	s5 =	sadd.s32 $0xA00, s18;
	s6 =	sadd.s32 $0xA80, s18;
	s7 =	sadd.s32 $0xB00, s18  }
0xc2: {  	s13 =	sadd.s32 $0x900, s18;
	s14 =	sadd.s32 $0x980, s18;
	s22 =	spop (v2sf);
	(v2sf) =	vpush v0, $0x8  }
0xc3: {  	s23 =	sadd.s32 $0x700, s18;
	s22 =	sand.u32 $0x1FFFFFF0, s22;
	s24 =	spop (v2sf)  }
0xc4: {  	s25 =	sadd.s32 $0x880, s18;
	s22 =	sadd.s32 s3, s22;
	s26 =	spop (v2sf);
	(v2sf) =	vpush v0, $0x9  }
0xc5: {  	[tilespmem:s2], [sflag:$0x1] =	stream.linear.gather [hbm4b:s22+s1], $0x80, $0x38;
	[tilespmem:$0x10600] =	vst v63  }
0xc6: {  	s30 =	sand.u32 $0x1FFFFFF0, s24;
	s29 =	sand.u32 $0x1FFFFFF0, s26;
	s31 =	spop (v2sf);
	(v2sf) =	vpush v0, $0xA  }
0xc7: {  	s26 =	sadd.s32 $0x800, s18;
	s2 =	sadd.s32 s3, s29;
	s28 =	spop (v2sf)  }
0xc8: {  	[tilespmem:s0], [sflag:$0x1] =	stream.linear.gather [hbm4b:s2+s1], $0x80, $0x38;
	(v2sf) =	vpush v0, $0xB;
	[tilespmem:$0x10600] =	vst v63  }
0xc9: {  	s22 =	sadd.s32 s3, s30;
	s30 =	sadd.s32 $0x780, s18;
	s24 =	sand.u32 $0x1FFFFFF0, s31  }
0xca: {  	(v2sf) =	vpush v0, $0xC;
	[tilespmem:s23], [sflag:$0x1] =	stream.linear.gather [hbm4b:s22+s1], $0x80, $0x38;
	[tilespmem:$0x10600] =	vst v63  }
0xcb: {  	s29 =	sand.u32 $0x1FFFFFF0, s28;
	s2 =	sadd.s32 s3, s24;
	s31 =	spop (v2sf)  }
0xcc: {  	[tilespmem:s30], [sflag:$0x1] =	stream.linear.gather [hbm4b:s2+s1], $0x80, $0x38;
	(v2sf) =	vpush v0, $0xD;
	[tilespmem:$0x10600] =	vst v63  }
0xcd: {  	s2 =	sadd.s32 s3, s29;
	s22 =	sand.u32 $0x1FFFFFF0, s31;
	s23 =	spop (v2sf)  }
0xce: {  	(v2sf) =	vpush v0, $0xE;
	[tilespmem:s26], [sflag:$0x1] =	stream.linear.gather [hbm4b:s2+s1], $0x80, $0x38;
	[tilespmem:$0x10600] =	vst v63  }
0xcf: {  	s24 =	sadd.s32 s3, s22;
	s26 =	sand.u32 $0x1FFFFFF0, s23;
	s28 =	spop (v2sf)  }
0xd0: {  	(v2sf) =	vpush v0, $0xF;
	[tilespmem:s25], [sflag:$0x1] =	stream.linear.gather [hbm4b:s24+s1], $0x80, $0x38;
	[tilespmem:$0x10600] =	vst v63  }
0xd1: {  	s29 =	sadd.s32 s3, s26;
	s30 =	sand.u32 $0x1FFFFFF0, s28;
	s31 =	spop (v2sf)  }
0xd2: {  	[tilespmem:s13], [sflag:$0x1] =	stream.linear.gather [hbm4b:s29+s1], $0x80, $0x38;
	[tilespmem:$0x10600] =	vst v63  }
0xd3: {  	s13 =	sadd.s32 s3, s30;
	s23 =	sand.u32 $0x1FFFFFF0, s31;
	s24 =	spop (v2sf)  }
0xd4: {  	[tilespmem:s14], [sflag:$0x1] =	stream.linear.gather [hbm4b:s13+s1], $0x80, $0x38;
	[tilespmem:$0x10600] =	vst v63  }
0xd5: {  	s25 =	sadd.s32 s3, s23;
	s26 =	sand.u32 $0x1FFFFFF0, s24;
	s28 =	spop (v2sf)  }
0xd6: {  	[tilespmem:s5], [sflag:$0x1] =	stream.linear.gather [hbm4b:s25+s1], $0x80, $0x38;
	[tilespmem:$0x10600] =	vst v63  }
0xd7: {  	s29 =	sadd.s32 s3, s26;
	s30 =	sand.u32 $0x1FFFFFF0, s28;
	s31 =	spop (v2sf)  }
0xd8: {  	[tilespmem:s6], [sflag:$0x1] =	stream.linear.gather [hbm4b:s29+s1], $0x80, $0x38;
	[tilespmem:$0x10600] =	vst v63  }
0xd9: {  	s2 =	sadd.s32 s3, s30;
	s5 =	sand.u32 $0x1FFFFFF0, s31;
	s6 =	spop (v2sf)  }
0xda: {  	[tilespmem:s7], [sflag:$0x1] =	stream.linear.gather [hbm4b:s2+s1], $0x80, $0x38;
	[tilespmem:$0x10600] =	vst v63  }
0xdb: {  	s13 =	sand.u32 $0x1FFFFFF0, s6;
	s7 =	sadd.s32 s3, s5;
	s14 =	spop (v2sf)  }
0xdc: {  	[tilespmem:s21], [sflag:$0x1] =	stream.linear.gather [hbm4b:s7+s1], $0x80, $0x38;
	[tilespmem:$0x10600] =	vst v63  }
0xdd: {  	s21 =	sadd.s32 s3, s13;
	s22 =	sand.u32 $0x1FFFFFF0, s14;
	s23 =	spop (v2sf)  }
0xde: {  	[tilespmem:s20], [sflag:$0x1] =	stream.linear.gather [hbm4b:s21+s1], $0x80, $0x38;
	[tilespmem:$0x10600] =	vst v63  }
0xdf: {  	s24 =	sadd.s32 s3, s22;
	s25 =	sand.u32 $0x1FFFFFF0, s23;
	s26 =	spop (v2sf)  }
0xe0: {  	[tilespmem:s19], [sflag:$0x1] =	stream.linear.gather [hbm4b:s24+s1], $0x80, $0x38;
	[tilespmem:$0x10600] =	vst v63  }
0xe1: {  	s28 =	sadd.s32 $0xD00, s18;
	s2 =	sadd.s32 s3, s25;
	s5 =	sand.u32 $0x1FFFFFF0, s26  }
0xe2: {  	[tilespmem:s28], [sflag:$0x1] =	stream.linear.gather [hbm4b:s2+s1], $0x80, $0x38;
	[tilespmem:$0x10600] =	vst v63  }
0xe3: {  	s29 =	sadd.s32 $0xD80, s18;
	s30 =	sadd.s32 s3, s5  }
0xe4: {  	[tilespmem:s29], [sflag:$0x1] =	stream.linear.gather [hbm4b:s30+s1], $0x80, $0x38;
	[tilespmem:$0x10600] =	vst v63  }
0xe5: {  	_ =	swait.ge [sflag:s15], $0x10000  }
0xe6: {  	[sflag:s15] =	ssyncset.done $0x0  }
0xe7: {  	s18 =	simm.s32 $0x0;
	[sflag:s15] =	ssyncadd.s32 $0xFFFF0000  }
0xe8: {  	[hbm4b:s9+s18] =	stream.linear.scatter [tilespmem:s16], [sflag:$0x2], $0x10000, $0x38;
	[tilespmem:$0x10600] =	vst v63  }
0xe9: {  	_ =	swait.ge [sflag:s12], $0x10000  }
0xea: {  	[sflag:s12] =	ssyncset.done $0x0  }
0xeb: {  	s31 =	sand.u32 $0x1F0, s18;
	[sflag:s12] =	ssyncadd.s32 $0xFFFF0000  }
0xec: {  	v0 =	vld [tilespmem:s31+$0x400];
	_ =	sdelay $0x4  }
0xed: {  	v0 =	vshll.u32 v0, $0x4  }
0xee: {  	(v2sf) =	vpush v0, $0x0  }
0xef: {  	(v2sf) =	vpush v0, $0x2  }
0xf0: {  	(v2sf) =	vpush v0, $0x1;
	_ =	sdelay $0x1  }
0xf1: {  	(v2sf) =	vpush v0, $0x3  }
0xf2: {  	(v2sf) =	vpush v0, $0x4;
	_ =	sdelay $0x2  }
0xf3: {  	s20 =	simm.s32 $0x10;
	s19 =	simm.s32 $0x2000  }
.LBB2_6:
0xf4: {  	p0 =	sne.s32 s19, $0x3E000;
	(v2sf) =	vpush v0, $0x5;
	s0 =	smov.u32 s19;
	s19 =	sadd.s32 $0x2000, s19  }
0xf5: {  	s21 =	sshra.s32 s18, $0x2;
	s18 =	smov.u32 s0  }
0xf6: {  	s0 =	sadd.s32 $0x680, s21;
	(v2sf) =	vpush v0, $0x6  }
0xf7: {  	s2 =	sadd.s32 $0x600, s21  }
0xf8: {  	s24 =	sadd.s32 $0xB80, s21;
	s23 =	sadd.s32 $0xC00, s21;
	s22 =	sadd.s32 $0xC80, s21;
	(v2sf) =	vpush v0, $0x7  }
0xf9: {  	s28 =	sadd.s32 $0xA00, s21;
	s26 =	sadd.s32 $0xA80, s21;
	s25 =	sadd.s32 $0xB00, s21  }
0xfa: {  	s5 =	sadd.s32 $0x900, s21;
	s29 =	sadd.s32 $0x980, s21;
	s6 =	spop (v2sf);
	(v2sf) =	vpush v0, $0x8  }
0xfb: {  	s7 =	sadd.s32 $0x700, s21;
	s6 =	sand.u32 $0x1FFFFFF0, s6;
	s13 =	spop (v2sf)  }
0xfc: {  	s14 =	sadd.s32 $0x880, s21;
	s6 =	sadd.s32 s3, s6;
	s30 =	spop (v2sf);
	(v2sf) =	vpush v0, $0x9  }
0xfd: {  	[tilespmem:s2], [sflag:$0x1] =	stream.linear.gather [hbm4b:s6+s1], $0x80, $0x38;
	[tilespmem:$0x10600] =	vst v63  }
0xfe: {  	s2 =	sand.u32 $0x1FFFFFF0, s30;
	s6 =	sand.u32 $0x1FFFFFF0, s13;
	s13 =	spop (v2sf);
	(v2sf) =	vpush v0, $0xA  }
0xff: {  	s30 =	sadd.s32 $0x800, s21;
	s2 =	sadd.s32 s3, s2;
	s31 =	spop (v2sf)  }
0x100: {  	[tilespmem:s0], [sflag:$0x1] =	stream.linear.gather [hbm4b:s2+s1], $0x80, $0x38;
	(v2sf) =	vpush v0, $0xB;
	[tilespmem:$0x10600] =	vst v63  }
0x101: {  	s0 =	sadd.s32 s3, s6;
	s2 =	sand.u32 $0x1FFFFFF0, s13;
	s6 =	sand.u32 $0x1FFFFFF0, s31  }
0x102: {  	[tilespmem:s7], [sflag:$0x1] =	stream.linear.gather [hbm4b:s0+s1], $0x80, $0x38;
	(v2sf) =	vpush v0, $0xC;
	[tilespmem:$0x10600] =	vst v63  }
0x103: {  	s2 =	sadd.s32 s3, s2;
	s0 =	sadd.s32 $0x780, s21;
	s7 =	spop (v2sf)  }
0x104: {  	[tilespmem:s0], [sflag:$0x1] =	stream.linear.gather [hbm4b:s2+s1], $0x80, $0x38;
	(v2sf) =	vpush v0, $0xD;
	[tilespmem:$0x10600] =	vst v63  }
0x105: {  	s0 =	sadd.s32 s3, s6;
	s2 =	sand.u32 $0x1FFFFFF0, s7;
	s6 =	spop (v2sf)  }
0x106: {  	[tilespmem:s30], [sflag:$0x1] =	stream.linear.gather [hbm4b:s0+s1], $0x80, $0x38;
	(v2sf) =	vpush v0, $0xE;
	[tilespmem:$0x10600] =	vst v63  }
0x107: {  	s0 =	sadd.s32 s3, s2;
	s2 =	sand.u32 $0x1FFFFFF0, s6;
	s6 =	spop (v2sf)  }
0x108: {  	[tilespmem:s14], [sflag:$0x1] =	stream.linear.gather [hbm4b:s0+s1], $0x80, $0x38;
	(v2sf) =	vpush v0, $0xF;
	[tilespmem:$0x10600] =	vst v63  }
0x109: {  	s0 =	sadd.s32 s3, s2;
	s2 =	sand.u32 $0x1FFFFFF0, s6;
	s6 =	spop (v2sf)  }
0x10a: {  	[tilespmem:s5], [sflag:$0x1] =	stream.linear.gather [hbm4b:s0+s1], $0x80, $0x38;
	[tilespmem:$0x10600] =	vst v63  }
0x10b: {  	s0 =	sadd.s32 s3, s2;
	s2 =	sand.u32 $0x1FFFFFF0, s6;
	s5 =	spop (v2sf)  }
0x10c: {  	[tilespmem:s29], [sflag:$0x1] =	stream.linear.gather [hbm4b:s0+s1], $0x80, $0x38;
	[tilespmem:$0x10600] =	vst v63  }
0x10d: {  	s0 =	sadd.s32 s3, s2;
	s2 =	sand.u32 $0x1FFFFFF0, s5;
	s5 =	spop (v2sf)  }
0x10e: {  	[tilespmem:s28], [sflag:$0x1] =	stream.linear.gather [hbm4b:s0+s1], $0x80, $0x38;
	[tilespmem:$0x10600] =	vst v63  }
0x10f: {  	s0 =	sadd.s32 s3, s2;
	s2 =	sand.u32 $0x1FFFFFF0, s5;
	s5 =	spop (v2sf)  }
0x110: {  	[tilespmem:s26], [sflag:$0x1] =	stream.linear.gather [hbm4b:s0+s1], $0x80, $0x38;
	[tilespmem:$0x10600] =	vst v63  }
0x111: {  	s0 =	sadd.s32 s3, s2;
	s2 =	sand.u32 $0x1FFFFFF0, s5;
	s5 =	spop (v2sf)  }
0x112: {  	[tilespmem:s25], [sflag:$0x1] =	stream.linear.gather [hbm4b:s0+s1], $0x80, $0x38;
	[tilespmem:$0x10600] =	vst v63  }
0x113: {  	s0 =	sadd.s32 s3, s2;
	s2 =	sand.u32 $0x1FFFFFF0, s5;
	s5 =	spop (v2sf)  }
0x114: {  	[tilespmem:s24], [sflag:$0x1] =	stream.linear.gather [hbm4b:s0+s1], $0x80, $0x38;
	[tilespmem:$0x10600] =	vst v63  }
0x115: {  	s0 =	sadd.s32 s3, s2;
	s2 =	sand.u32 $0x1FFFFFF0, s5;
	s5 =	spop (v2sf)  }
0x116: {  	[tilespmem:s23], [sflag:$0x1] =	stream.linear.gather [hbm4b:s0+s1], $0x80, $0x38;
	[tilespmem:$0x10600] =	vst v63  }
0x117: {  	s0 =	sadd.s32 s3, s2;
	s2 =	sand.u32 $0x1FFFFFF0, s5;
	s5 =	spop (v2sf)  }
0x118: {  	[tilespmem:s22], [sflag:$0x1] =	stream.linear.gather [hbm4b:s0+s1], $0x80, $0x38;
	[tilespmem:$0x10600] =	vst v63  }
0x119: {  	s2 =	sadd.s32 s3, s2;
	s0 =	sadd.s32 $0xD00, s21;
	s5 =	sand.u32 $0x1FFFFFF0, s5  }
0x11a: {  	[tilespmem:s0], [sflag:$0x1] =	stream.linear.gather [hbm4b:s2+s1], $0x80, $0x38;
	[tilespmem:$0x10600] =	vst v63  }
0x11b: {  	s5 =	sadd.s32 s3, s5;
	s0 =	sand.u32 $0x1F0, s20;
	s2 =	sadd.s32 $0xD80, s21  }
0x11c: {  	[tilespmem:s2], [sflag:$0x1] =	stream.linear.gather [hbm4b:s5+s1], $0x80, $0x38;
	[tilespmem:$0x10600] =	vst v63  }
0x11d: {  	v0 =	vld [tilespmem:s0+$0x400];
	_ =	sdelay $0x4  }
0x11e: {  	v0 =	vshll.u32 v0, $0x4  }
0x11f: {  	(v2sf) =	vpush v0, $0x0  }
0x120: {  	(v2sf) =	vpush v0, $0x2  }
0x121: {  	(v2sf) =	vpush v0, $0x1;
	_ =	sdelay $0x1  }
.Ltmp2:
0x122: {  	(v2sf) =	vpush v0, $0x3;
	(pc) =	sbr.rel @p0 .LBB2_6-.Ltmp2, $2  }
0x123: {  	(v2sf) =	vpush v0, $0x4;
	_ =	sdelay $0x2  }
0x124: {  	s20 =	sadd.s32 $0x10, s20  }
0x125: {  	(v2sf) =	vpush v0, $0x5;
	_ =	sdelay $0x1  }
0x126: {  	s18 =	sshra.s32 s18, $0x2;
	(v2sf) =	vpush v0, $0x6  }
0x127: {  	s0 =	sadd.s32 $0x680, s18;
	s2 =	sadd.s32 $0x600, s18  }
0x128: {  	s21 =	sadd.s32 $0xB80, s18;
	s20 =	sadd.s32 $0xC00, s18;
	s19 =	sadd.s32 $0xC80, s18;
	(v2sf) =	vpush v0, $0x7  }
0x129: {  	s5 =	sadd.s32 $0xA00, s18;
	s6 =	sadd.s32 $0xA80, s18;
	s7 =	sadd.s32 $0xB00, s18  }
0x12a: {  	s13 =	sadd.s32 $0x900, s18;
	s14 =	sadd.s32 $0x980, s18;
	s22 =	spop (v2sf);
	(v2sf) =	vpush v0, $0x8  }
0x12b: {  	s23 =	sadd.s32 $0x700, s18;
	s22 =	sand.u32 $0x1FFFFFF0, s22;
	s24 =	spop (v2sf)  }
0x12c: {  	s25 =	sadd.s32 $0x880, s18;
	s22 =	sadd.s32 s3, s22;
	s26 =	spop (v2sf);
	(v2sf) =	vpush v0, $0x9  }
0x12d: {  	[tilespmem:s2], [sflag:$0x1] =	stream.linear.gather [hbm4b:s22+s1], $0x80, $0x38;
	[tilespmem:$0x10600] =	vst v63  }
0x12e: {  	s30 =	sand.u32 $0x1FFFFFF0, s24;
	s29 =	sand.u32 $0x1FFFFFF0, s26;
	s31 =	spop (v2sf);
	(v2sf) =	vpush v0, $0xA  }
0x12f: {  	s26 =	sadd.s32 $0x800, s18;
	s2 =	sadd.s32 s3, s29;
	s28 =	spop (v2sf)  }
0x130: {  	[tilespmem:s0], [sflag:$0x1] =	stream.linear.gather [hbm4b:s2+s1], $0x80, $0x38;
	(v2sf) =	vpush v0, $0xB;
	[tilespmem:$0x10600] =	vst v63  }
0x131: {  	s22 =	sadd.s32 s3, s30;
	s30 =	sadd.s32 $0x780, s18;
	s24 =	sand.u32 $0x1FFFFFF0, s31  }
0x132: {  	(v2sf) =	vpush v0, $0xC;
	[tilespmem:s23], [sflag:$0x1] =	stream.linear.gather [hbm4b:s22+s1], $0x80, $0x38;
	[tilespmem:$0x10600] =	vst v63  }
0x133: {  	s29 =	sand.u32 $0x1FFFFFF0, s28;
	s2 =	sadd.s32 s3, s24;
	s31 =	spop (v2sf)  }
0x134: {  	[tilespmem:s30], [sflag:$0x1] =	stream.linear.gather [hbm4b:s2+s1], $0x80, $0x38;
	(v2sf) =	vpush v0, $0xD;
	[tilespmem:$0x10600] =	vst v63  }
0x135: {  	s2 =	sadd.s32 s3, s29;
	s22 =	sand.u32 $0x1FFFFFF0, s31;
	s23 =	spop (v2sf)  }
0x136: {  	(v2sf) =	vpush v0, $0xE;
	[tilespmem:s26], [sflag:$0x1] =	stream.linear.gather [hbm4b:s2+s1], $0x80, $0x38;
	[tilespmem:$0x10600] =	vst v63  }
0x137: {  	s24 =	sadd.s32 s3, s22;
	s26 =	sand.u32 $0x1FFFFFF0, s23;
	s28 =	spop (v2sf)  }
0x138: {  	(v2sf) =	vpush v0, $0xF;
	[tilespmem:s25], [sflag:$0x1] =	stream.linear.gather [hbm4b:s24+s1], $0x80, $0x38;
	[tilespmem:$0x10600] =	vst v63  }
0x139: {  	s29 =	sadd.s32 s3, s26;
	s30 =	sand.u32 $0x1FFFFFF0, s28;
	s31 =	spop (v2sf)  }
0x13a: {  	[tilespmem:s13], [sflag:$0x1] =	stream.linear.gather [hbm4b:s29+s1], $0x80, $0x38;
	[tilespmem:$0x10600] =	vst v63  }
0x13b: {  	s13 =	sadd.s32 s3, s30;
	s23 =	sand.u32 $0x1FFFFFF0, s31;
	s24 =	spop (v2sf)  }
0x13c: {  	[tilespmem:s14], [sflag:$0x1] =	stream.linear.gather [hbm4b:s13+s1], $0x80, $0x38;
	[tilespmem:$0x10600] =	vst v63  }
0x13d: {  	s25 =	sadd.s32 s3, s23;
	s26 =	sand.u32 $0x1FFFFFF0, s24;
	s28 =	spop (v2sf)  }
0x13e: {  	[tilespmem:s5], [sflag:$0x1] =	stream.linear.gather [hbm4b:s25+s1], $0x80, $0x38;
	[tilespmem:$0x10600] =	vst v63  }
0x13f: {  	s29 =	sadd.s32 s3, s26;
	s30 =	sand.u32 $0x1FFFFFF0, s28;
	s31 =	spop (v2sf)  }
0x140: {  	[tilespmem:s6], [sflag:$0x1] =	stream.linear.gather [hbm4b:s29+s1], $0x80, $0x38;
	[tilespmem:$0x10600] =	vst v63  }
0x141: {  	s2 =	sadd.s32 s3, s30;
	s5 =	sand.u32 $0x1FFFFFF0, s31;
	s6 =	spop (v2sf)  }
0x142: {  	[tilespmem:s7], [sflag:$0x1] =	stream.linear.gather [hbm4b:s2+s1], $0x80, $0x38;
	[tilespmem:$0x10600] =	vst v63  }
0x143: {  	s13 =	sand.u32 $0x1FFFFFF0, s6;
	s7 =	sadd.s32 s3, s5;
	s14 =	spop (v2sf)  }
0x144: {  	[tilespmem:s21], [sflag:$0x1] =	stream.linear.gather [hbm4b:s7+s1], $0x80, $0x38;
	[tilespmem:$0x10600] =	vst v63  }
0x145: {  	s22 =	sadd.s32 s3, s13;
	s23 =	sand.u32 $0x1FFFFFF0, s14;
	s24 =	spop (v2sf)  }
0x146: {  	[tilespmem:s20], [sflag:$0x1] =	stream.linear.gather [hbm4b:s22+s1], $0x80, $0x38;
	[tilespmem:$0x10600] =	vst v63  }
0x147: {  	s25 =	sadd.s32 s3, s23;
	s26 =	sand.u32 $0x1FFFFFF0, s24;
	s28 =	spop (v2sf)  }
0x148: {  	[tilespmem:s19], [sflag:$0x1] =	stream.linear.gather [hbm4b:s25+s1], $0x80, $0x38;
	[tilespmem:$0x10600] =	vst v63  }
0x149: {  	s29 =	sadd.s32 $0xD00, s18;
	s2 =	sadd.s32 s3, s26;
	s5 =	sand.u32 $0x1FFFFFF0, s28  }
0x14a: {  	[tilespmem:s29], [sflag:$0x1] =	stream.linear.gather [hbm4b:s2+s1], $0x80, $0x38;
	[tilespmem:$0x10600] =	vst v63  }
0x14b: {  	s30 =	sadd.s32 $0xD80, s18;
	s31 =	sadd.s32 s3, s5  }
0x14c: {  	[tilespmem:s30], [sflag:$0x1] =	stream.linear.gather [hbm4b:s31+s1], $0x80, $0x38;
	[tilespmem:$0x10600] =	vst v63  }
0x14d: {  	s17 =	sadd.s32 $0x1, s17;
	_ =	swait.ge [sflag:s15], $0x10000  }
0x14e: {  	p0 =	sne.s32 s17, s11;
	[sflag:s15] =	ssyncset.done $0x0  }
.Ltmp3:
0x14f: {  	[sflag:s15] =	ssyncadd.s32 $0xFFFF0000;
	(pc) =	sbr.rel @p0 .LBB2_1-.Ltmp3, $4  }
0x150: {  	[hbm4b:s10+s1] =	stream.linear.scatter [tilespmem:s16], [sflag:$0x2], $0x10000, $0x38;
	[tilespmem:$0x10600] =	vst v63  }
0x151: {  	_ =	swait.ge [sflag:s12], $0x10000  }
0x152: {  	[sflag:s12] =	ssyncset.done $0x0  }
0x153: {  	[sflag:s12] =	ssyncadd.s32 $0xFFFF0000  }
0x154: {  	_ =	sfence.sel $0x180000  }
0x155: {  	[bflag:$0x0] =	sbarrier.arrive $0xFFFF  }
0x156: {  	_ =	strace $0x90000047  }
0x157: {  	s0 =	stileid.u32;
	[bflag:$0x2] =	sbarrier.arrive $0xFFFF  }
0x158: {  	p0 =	sne.s32 s0, $0x0;
	s0 =	rddreg [dreg:$0x4]  }
0x159: {  	s0 =	sadd.s32 @!p0 $0x100000, s0  }
0x15a: {  	[sflag:s0] =	ssyncadd.tile.s32 @!p0 $0x1;
	_ =	shalt  }
.Lfunc_end2:
_tile_overlayer_lowered:
.L_overlay_start_2:
0x15b: {  	(tag) =	ssettag $0x2  }
0x15c: {  	s0 =	rddreg [dreg:$0x0];
	s2 =	stileid.u32  }
0x15d: {  	s1 =	rddreg [dreg:$0x1];
	p0 =	sne.s32 s2, $0x0  }
0x15e: {  	s3 =	rddreg [dreg:$0x2];
	[bflag:$0x3] =	sbarrier.arrive $0xFFFF;
	s2 =	simm.s32 @!p0 $0x1C02  }
0x15f: {  	[timem:s3], [sflag:s2] =	dma.local @!p0 [hbm:s0], s1  }
0x160: {  	s0 =	simm.s32 @!p0 $0x2  }
0x161: {  	_ =	swait.ge @!p0 [sflag:s0], s1  }
0x162: {  	s1 =	ssub.s32 @!p0 $0x0, s1;
	[sflag:s0] =	ssyncset.done @!p0 $0x0  }
0x163: {  	[sflag:s0] =	ssyncadd.s32 @!p0 s1  }
0x164: {  	[bflag:$0x3] =	sbarrier.arrive $0xFFFF  }
0x165: {  	_ =	shalt  }

</sc_bundles>
